<compile_context>
chip_gen: v7x
topology: tpu7x:2x2x1
jax: 0.10.2.dev20260603
libtpu: 0.0.44.dev20260713+nightly
codegen_flags: <defaults>
</compile_context>

<pallas_src>
import functools

import jax
import jax.numpy as jnp
from jax import lax
from jax.experimental import pallas as pl
from jax.experimental.pallas import tpu as pltpu
from jax.experimental.pallas import tpu_sc as plsc

_NUM_CORES = 2
_NUM_SUBCORES = 16
_NUM_WORKERS = _NUM_CORES * _NUM_SUBCORES
_K = 32
_NBUF = 3


def kernel(input_ids, word_embeddings):
    B, S = input_ids.shape
    V, H = word_embeddings.shape
    s_per_w = S // _NUM_WORKERS
    n_j = s_per_w // _K
    T = B * n_j

    mesh = plsc.VectorSubcoreMesh(core_axis_name="c", subcore_axis_name="s")

    scratch = [pltpu.VMEM((B, s_per_w), jnp.int32)]
    scratch += [pltpu.VMEM((_K, H), jnp.float32) for _ in range(_NBUF)]
    scratch += [pltpu.SemaphoreType.DMA for _ in range(2 * _NBUF + 1)]

    @functools.partial(
        pl.kernel,
        mesh=mesh,
        out_type=jax.ShapeDtypeStruct((S, B, H), jnp.float32),
        scratch_types=scratch,
    )
    def _emb(ids_hbm, tab_hbm, out_hbm, idx_slab, *rest):
        bufs = rest[:_NBUF]
        gsems = rest[_NBUF:2 * _NBUF]
        osems = rest[2 * _NBUF:3 * _NBUF]
        isem = rest[3 * _NBUF]
        wid = lax.axis_index("s") * _NUM_CORES + lax.axis_index("c")
        base_s = wid * s_per_w
        ih = [
            pltpu.async_copy(
                ids_hbm.at[b, pl.ds(base_s, s_per_w)], idx_slab.at[b], isem
            )
            for b in range(B)
        ]
        ids_ready = [False] * B

        def need_ids(b):
            if not ids_ready[b]:
                ih[b].wait()
                ids_ready[b] = True

        def chunk(t):
            b, j = divmod(t, n_j)
            idx = idx_slab.at[b, pl.ds(j * _K, _K)]
            out = out_hbm.at[pl.ds(base_s + j * _K, _K), b, :]
            return idx, out

        def fire_gather(t):
            need_ids(t // n_j)
            idx, _ = chunk(t)
            i = t % _NBUF
            return pltpu.async_copy(tab_hbm.at[idx], bufs[i], gsems[i])

        hg = [None] * _NBUF
        ho = [None] * _NBUF
        for t in range(min(_NBUF - 1, T)):
            hg[t % _NBUF] = fire_gather(t)
        for t in range(T):
            i = t % _NBUF
            nxt = t + _NBUF - 1
            if nxt < T:
                j = nxt % _NBUF
                if ho[j] is not None:
                    ho[j].wait()
                    ho[j] = None
                hg[j] = fire_gather(nxt)
            hg[i].wait()
            _, outsl = chunk(t)
            ho[i] = pltpu.async_copy(bufs[i], outsl, osems[i])
        for h in ho:
            if h is not None:
                h.wait()

    return _emb(input_ids, word_embeddings)

# --- scband reference (transcript-rebuilt; emitter-appended) ---
"""Pipeline reference for scband-embedding-81758997446977 (READ-ONLY COPY).

The authoritative reference and input builder live on the scoring server;
editing this copy changes nothing except your own understanding.
"""

import jax, jax.numpy as jnp
import numpy as np

VOCAB = 100000
HIDDEN = 1024
BATCH = 4
SEQ = 2048


def setup_inputs(seed: int = 0) -> dict:
    key = jax.random.key(seed)
    k_idx, k_tab = jax.random.split(key)
    input_ids = jax.random.randint(k_idx, (BATCH, SEQ), 0, VOCAB, dtype=jnp.int32)
    word_embeddings = jax.random.normal(k_tab, (VOCAB, HIDDEN), dtype=jnp.float32) * 0.02
    return {"input_ids": input_ids, "word_embeddings": word_embeddings}


def reference(input_ids, word_embeddings):
    # Megatron/ChatGLM-style Embedding.forward:
    #   words_embeddings = self.word_embeddings(input_ids)   # [b, s, h]
    #   embeddings = words_embeddings.transpose(0, 1)         # [s, b, h]
    #   if self.fp32_residual_connection: embeddings = embeddings.float()
    emb = jnp.take(word_embeddings, input_ids, axis=0)  # gather -> [b, s, h]
    emb = jnp.transpose(emb, (1, 0, 2))                 # [s, b, h]
    emb = emb.astype(jnp.float32)                       # fp32_residual_connection=True
    return emb

if __name__ == "__main__":
    import jax
    _d = setup_inputs()
    print(jax.jit(kernel)(*tuple(_d.values())))

</pallas_src>

<mosaic_0001>
#map = affine_map<(d0, d1) -> (0, 0)>
#map1 = affine_map<(d0, d1) -> (0, 0, 0)>
module attributes {stable_mosaic.version = 14 : i64} {
  func.func @_emb(%arg0: i32, %arg1: i32, %arg2: memref<4x2048xi32, #tpu.memory_space<hbm>>, %arg3: memref<100000x1024xf32, #tpu.memory_space<hbm>>, %arg4: memref<2048x4x1024xf32, #tpu.memory_space<hbm>>, %arg5: memref<4x64xi32, #tpu.memory_space<vmem>>, %arg6: memref<32x1024xf32, #tpu.memory_space<vmem>>, %arg7: memref<32x1024xf32, #tpu.memory_space<vmem>>, %arg8: memref<32x1024xf32, #tpu.memory_space<vmem>>, %arg9: memref<!tpu.dma_semaphore, #tpu.memory_space<semaphore_mem>>, %arg10: memref<!tpu.dma_semaphore, #tpu.memory_space<semaphore_mem>>, %arg11: memref<!tpu.dma_semaphore, #tpu.memory_space<semaphore_mem>>, %arg12: memref<!tpu.dma_semaphore, #tpu.memory_space<semaphore_mem>>, %arg13: memref<!tpu.dma_semaphore, #tpu.memory_space<semaphore_mem>>, %arg14: memref<!tpu.dma_semaphore, #tpu.memory_space<semaphore_mem>>, %arg15: memref<!tpu.dma_semaphore, #tpu.memory_space<semaphore_mem>>) attributes {dimension_semantics = [#tpu.dimension_semantics<core_parallel>, #tpu.dimension_semantics<subcore_parallel>], iteration_bounds = array<i64: 2, 16>, scalar_prefetch = 0 : i64, scratch_operands = 11 : i64, tpu.core_type = #tpu.core_type<sc_vector_subcore>, window_params = [{transform_indices = #map}, {transform_indices = #map}, {transform_indices = #map1}]} {
    %mul3A = arith.constant 2 : i32
    %mul3A_0 = arith.muli %arg1, %mul3A : i32
    %add3A = arith.addi %mul3A_0, %arg0 : i32
    %mul3A_1 = arith.constant 64 : i32
    %mul3A_2 = arith.muli %add3A, %mul3A_1 : i32
    %dma_start3A = arith.constant 0 : i32
    %dma_start3A_3 = arith.constant 0 : i32
    %dma_start3A_4 = arith.constant 0 : i32
    %dma_start3A_5 = tpu.memref_slice %arg5[%dma_start3A_3, %dma_start3A_4] : memref<4x64xi32, #tpu.memory_space<vmem>> -> memref<1x64xi32, #tpu.memory_space<vmem>>
    %dma_start3A_6 = tpu.memref_squeeze %dma_start3A_5 : memref<1x64xi32, #tpu.memory_space<vmem>> -> memref<64xi32, #tpu.memory_space<vmem>>
    %dma_start3A_7 = tpu.memref_slice %arg2[%dma_start3A, %mul3A_2] : memref<4x2048xi32, #tpu.memory_space<hbm>> -> memref<1x64xi32, #tpu.memory_space<hbm>>
    %dma_start3A_8 = tpu.memref_squeeze %dma_start3A_7 : memref<1x64xi32, #tpu.memory_space<hbm>> -> memref<64xi32, #tpu.memory_space<hbm>>
    %dma_start3A_9 = arith.constant 0 : i32
    %dma_start3A_10 = tpu.memref_slice %arg5[%dma_start3A_3, %dma_start3A_9] : memref<4x64xi32, #tpu.memory_space<vmem>> -> memref<1x64xi32, #tpu.memory_space<vmem>>
    %dma_start3A_11 = tpu.memref_squeeze %dma_start3A_10 : memref<1x64xi32, #tpu.memory_space<vmem>> -> memref<64xi32, #tpu.memory_space<vmem>>
    %dma_start3A_12 = tpu.memref_slice %arg2[%dma_start3A, %mul3A_2] : memref<4x2048xi32, #tpu.memory_space<hbm>> -> memref<1x64xi32, #tpu.memory_space<hbm>>
    %dma_start3A_13 = tpu.memref_squeeze %dma_start3A_12 : memref<1x64xi32, #tpu.memory_space<hbm>> -> memref<64xi32, #tpu.memory_space<hbm>>
    tpu.enqueue_dma source(%dma_start3A_13 : memref<64xi32, #tpu.memory_space<hbm>>) target(%dma_start3A_11 : memref<64xi32, #tpu.memory_space<vmem>>) target_semaphore(%arg15 : memref<!tpu.dma_semaphore, #tpu.memory_space<semaphore_mem>>)
    %dma_start3A_14 = arith.constant 1 : i32
    %dma_start3A_15 = arith.constant 1 : i32
    %dma_start3A_16 = arith.constant 0 : i32
    %dma_start3A_17 = tpu.memref_slice %arg5[%dma_start3A_15, %dma_start3A_16] : memref<4x64xi32, #tpu.memory_space<vmem>> -> memref<1x64xi32, #tpu.memory_space<vmem>>
    %dma_start3A_18 = tpu.memref_squeeze %dma_start3A_17 : memref<1x64xi32, #tpu.memory_space<vmem>> -> memref<64xi32, #tpu.memory_space<vmem>>
    %dma_start3A_19 = tpu.memref_slice %arg2[%dma_start3A_14, %mul3A_2] : memref<4x2048xi32, #tpu.memory_space<hbm>> -> memref<1x64xi32, #tpu.memory_space<hbm>>
    %dma_start3A_20 = tpu.memref_squeeze %dma_start3A_19 : memref<1x64xi32, #tpu.memory_space<hbm>> -> memref<64xi32, #tpu.memory_space<hbm>>
    %dma_start3A_21 = arith.constant 0 : i32
    %dma_start3A_22 = tpu.memref_slice %arg5[%dma_start3A_15, %dma_start3A_21] : memref<4x64xi32, #tpu.memory_space<vmem>> -> memref<1x64xi32, #tpu.memory_space<vmem>>
    %dma_start3A_23 = tpu.memref_squeeze %dma_start3A_22 : memref<1x64xi32, #tpu.memory_space<vmem>> -> memref<64xi32, #tpu.memory_space<vmem>>
    %dma_start3A_24 = tpu.memref_slice %arg2[%dma_start3A_14, %mul3A_2] : memref<4x2048xi32, #tpu.memory_space<hbm>> -> memref<1x64xi32, #tpu.memory_space<hbm>>
    %dma_start3A_25 = tpu.memref_squeeze %dma_start3A_24 : memref<1x64xi32, #tpu.memory_space<hbm>> -> memref<64xi32, #tpu.memory_space<hbm>>
    tpu.enqueue_dma source(%dma_start3A_25 : memref<64xi32, #tpu.memory_space<hbm>>) target(%dma_start3A_23 : memref<64xi32, #tpu.memory_space<vmem>>) target_semaphore(%arg15 : memref<!tpu.dma_semaphore, #tpu.memory_space<semaphore_mem>>)
    %dma_start3A_26 = arith.constant 2 : i32
    %dma_start3A_27 = arith.constant 2 : i32
    %dma_start3A_28 = arith.constant 0 : i32
    %dma_start3A_29 = tpu.memref_slice %arg5[%dma_start3A_27, %dma_start3A_28] : memref<4x64xi32, #tpu.memory_space<vmem>> -> memref<1x64xi32, #tpu.memory_space<vmem>>
    %dma_start3A_30 = tpu.memref_squeeze %dma_start3A_29 : memref<1x64xi32, #tpu.memory_space<vmem>> -> memref<64xi32, #tpu.memory_space<vmem>>
    %dma_start3A_31 = tpu.memref_slice %arg2[%dma_start3A_26, %mul3A_2] : memref<4x2048xi32, #tpu.memory_space<hbm>> -> memref<1x64xi32, #tpu.memory_space<hbm>>
    %dma_start3A_32 = tpu.memref_squeeze %dma_start3A_31 : memref<1x64xi32, #tpu.memory_space<hbm>> -> memref<64xi32, #tpu.memory_space<hbm>>
    %dma_start3A_33 = arith.constant 0 : i32
    %dma_start3A_34 = tpu.memref_slice %arg5[%dma_start3A_27, %dma_start3A_33] : memref<4x64xi32, #tpu.memory_space<vmem>> -> memref<1x64xi32, #tpu.memory_space<vmem>>
    %dma_start3A_35 = tpu.memref_squeeze %dma_start3A_34 : memref<1x64xi32, #tpu.memory_space<vmem>> -> memref<64xi32, #tpu.memory_space<vmem>>
    %dma_start3A_36 = tpu.memref_slice %arg2[%dma_start3A_26, %mul3A_2] : memref<4x2048xi32, #tpu.memory_space<hbm>> -> memref<1x64xi32, #tpu.memory_space<hbm>>
    %dma_start3A_37 = tpu.memref_squeeze %dma_start3A_36 : memref<1x64xi32, #tpu.memory_space<hbm>> -> memref<64xi32, #tpu.memory_space<hbm>>
    tpu.enqueue_dma source(%dma_start3A_37 : memref<64xi32, #tpu.memory_space<hbm>>) target(%dma_start3A_35 : memref<64xi32, #tpu.memory_space<vmem>>) target_semaphore(%arg15 : memref<!tpu.dma_semaphore, #tpu.memory_space<semaphore_mem>>)
    %dma_start3A_38 = arith.constant 3 : i32
    %dma_start3A_39 = arith.constant 3 : i32
    %dma_start3A_40 = arith.constant 0 : i32
    %dma_start3A_41 = tpu.memref_slice %arg5[%dma_start3A_39, %dma_start3A_40] : memref<4x64xi32, #tpu.memory_space<vmem>> -> memref<1x64xi32, #tpu.memory_space<vmem>>
    %dma_start3A_42 = tpu.memref_squeeze %dma_start3A_41 : memref<1x64xi32, #tpu.memory_space<vmem>> -> memref<64xi32, #tpu.memory_space<vmem>>
    %dma_start3A_43 = tpu.memref_slice %arg2[%dma_start3A_38, %mul3A_2] : memref<4x2048xi32, #tpu.memory_space<hbm>> -> memref<1x64xi32, #tpu.memory_space<hbm>>
    %dma_start3A_44 = tpu.memref_squeeze %dma_start3A_43 : memref<1x64xi32, #tpu.memory_space<hbm>> -> memref<64xi32, #tpu.memory_space<hbm>>
    %dma_start3A_45 = arith.constant 0 : i32
    %dma_start3A_46 = tpu.memref_slice %arg5[%dma_start3A_39, %dma_start3A_45] : memref<4x64xi32, #tpu.memory_space<vmem>> -> memref<1x64xi32, #tpu.memory_space<vmem>>
    %dma_start3A_47 = tpu.memref_squeeze %dma_start3A_46 : memref<1x64xi32, #tpu.memory_space<vmem>> -> memref<64xi32, #tpu.memory_space<vmem>>
    %dma_start3A_48 = tpu.memref_slice %arg2[%dma_start3A_38, %mul3A_2] : memref<4x2048xi32, #tpu.memory_space<hbm>> -> memref<1x64xi32, #tpu.memory_space<hbm>>
    %dma_start3A_49 = tpu.memref_squeeze %dma_start3A_48 : memref<1x64xi32, #tpu.memory_space<hbm>> -> memref<64xi32, #tpu.memory_space<hbm>>
    tpu.enqueue_dma source(%dma_start3A_49 : memref<64xi32, #tpu.memory_space<hbm>>) target(%dma_start3A_47 : memref<64xi32, #tpu.memory_space<vmem>>) target_semaphore(%arg15 : memref<!tpu.dma_semaphore, #tpu.memory_space<semaphore_mem>>)
    %dma_wait3A = arith.constant 0 : i32
    %dma_wait3A_50 = arith.constant 0 : i32
    %dma_wait3A_51 = arith.constant 0 : i32
    %dma_wait3A_52 = tpu.memref_slice %arg5[%dma_wait3A_50, %dma_wait3A_51] : memref<4x64xi32, #tpu.memory_space<vmem>> -> memref<1x64xi32, #tpu.memory_space<vmem>>
    %dma_wait3A_53 = tpu.memref_squeeze %dma_wait3A_52 : memref<1x64xi32, #tpu.memory_space<vmem>> -> memref<64xi32, #tpu.memory_space<vmem>>
    %dma_wait3A_54 = tpu.memref_slice %arg2[%dma_wait3A, %mul3A_2] : memref<4x2048xi32, #tpu.memory_space<hbm>> -> memref<1x64xi32, #tpu.memory_space<hbm>>
    %dma_wait3A_55 = tpu.memref_squeeze %dma_wait3A_54 : memref<1x64xi32, #tpu.memory_space<hbm>> -> memref<64xi32, #tpu.memory_space<hbm>>
    %dma_wait3A_56 = arith.constant 0 : i32
    %dma_wait3A_57 = tpu.memref_slice %arg5[%dma_wait3A_50, %dma_wait3A_56] : memref<4x64xi32, #tpu.memory_space<vmem>> -> memref<1x64xi32, #tpu.memory_space<vmem>>
    %dma_wait3A_58 = tpu.memref_squeeze %dma_wait3A_57 : memref<1x64xi32, #tpu.memory_space<vmem>> -> memref<64xi32, #tpu.memory_space<vmem>>
    %dma_wait3A_59 = tpu.memref_slice %arg2[%dma_wait3A, %mul3A_2] : memref<4x2048xi32, #tpu.memory_space<hbm>> -> memref<1x64xi32, #tpu.memory_space<hbm>>
    %dma_wait3A_60 = tpu.memref_squeeze %dma_wait3A_59 : memref<1x64xi32, #tpu.memory_space<hbm>> -> memref<64xi32, #tpu.memory_space<hbm>>
    tpu.wait_dma2 semaphore(%arg15 : memref<!tpu.dma_semaphore, #tpu.memory_space<semaphore_mem>>) src(%dma_wait3A_60 : memref<64xi32, #tpu.memory_space<hbm>>) dst(%dma_wait3A_58 : memref<64xi32, #tpu.memory_space<vmem>>)
    %add3A_61 = arith.constant 0 : i32
    %add3A_62 = arith.addi %mul3A_2, %add3A_61 : i32
    %dma_start3A_63 = arith.constant 0 : i32
    %dma_start3A_64 = arith.constant 0 : i32
    %dma_start3A_65 = tpu.memref_slice %arg5[%dma_start3A_63, %dma_start3A_64] : memref<4x64xi32, #tpu.memory_space<vmem>> -> memref<1x32xi32, #tpu.memory_space<vmem>>
    %dma_start3A_66 = tpu.memref_squeeze %dma_start3A_65 : memref<1x32xi32, #tpu.memory_space<vmem>> -> memref<32xi32, #tpu.memory_space<vmem>>
    %dma_start3A_67 = arith.constant 0 : i32
    %dma_start3A_68 = arith.constant 0 : i32
    %dma_start3A_69 = tpu.memref_slice %arg3[%dma_start3A_67, %dma_start3A_68] : memref<100000x1024xf32, #tpu.memory_space<hbm>> -> memref<100000x1024xf32, #tpu.memory_space<hbm>>
    tpu.enqueue_indirect_dma source(%dma_start3A_69 : memref<100000x1024xf32, #tpu.memory_space<hbm>>) target(%arg6 : memref<32x1024xf32, #tpu.memory_space<vmem>>) offsets(%dma_start3A_66 : memref<32xi32, #tpu.memory_space<vmem>>) semaphore(%arg9 : memref<!tpu.dma_semaphore, #tpu.memory_space<semaphore_mem>>)
    %add3A_70 = arith.constant 32 : i32
    %add3A_71 = arith.addi %mul3A_2, %add3A_70 : i32
    %dma_start3A_72 = arith.constant 0 : i32
    %dma_start3A_73 = arith.constant 32 : i32
    %dma_start3A_74 = tpu.memref_slice %arg5[%dma_start3A_72, %dma_start3A_73] : memref<4x64xi32, #tpu.memory_space<vmem>> -> memref<1x32xi32, #tpu.memory_space<vmem>>
    %dma_start3A_75 = tpu.memref_squeeze %dma_start3A_74 : memref<1x32xi32, #tpu.memory_space<vmem>> -> memref<32xi32, #tpu.memory_space<vmem>>
    %dma_start3A_76 = arith.constant 0 : i32
    %dma_start3A_77 = arith.constant 0 : i32
    %dma_start3A_78 = tpu.memref_slice %arg3[%dma_start3A_76, %dma_start3A_77] : memref<100000x1024xf32, #tpu.memory_space<hbm>> -> memref<100000x1024xf32, #tpu.memory_space<hbm>>
    tpu.enqueue_indirect_dma source(%dma_start3A_78 : memref<100000x1024xf32, #tpu.memory_space<hbm>>) target(%arg7 : memref<32x1024xf32, #tpu.memory_space<vmem>>) offsets(%dma_start3A_75 : memref<32xi32, #tpu.memory_space<vmem>>) semaphore(%arg10 : memref<!tpu.dma_semaphore, #tpu.memory_space<semaphore_mem>>)
    %dma_wait3A_79 = arith.constant 1 : i32
    %dma_wait3A_80 = arith.constant 1 : i32
    %dma_wait3A_81 = arith.constant 0 : i32
    %dma_wait3A_82 = tpu.memref_slice %arg5[%dma_wait3A_80, %dma_wait3A_81] : memref<4x64xi32, #tpu.memory_space<vmem>> -> memref<1x64xi32, #tpu.memory_space<vmem>>
    %dma_wait3A_83 = tpu.memref_squeeze %dma_wait3A_82 : memref<1x64xi32, #tpu.memory_space<vmem>> -> memref<64xi32, #tpu.memory_space<vmem>>
    %dma_wait3A_84 = tpu.memref_slice %arg2[%dma_wait3A_79, %mul3A_2] : memref<4x2048xi32, #tpu.memory_space<hbm>> -> memref<1x64xi32, #tpu.memory_space<hbm>>
    %dma_wait3A_85 = tpu.memref_squeeze %dma_wait3A_84 : memref<1x64xi32, #tpu.memory_space<hbm>> -> memref<64xi32, #tpu.memory_space<hbm>>
    %dma_wait3A_86 = arith.constant 0 : i32
    %dma_wait3A_87 = tpu.memref_slice %arg5[%dma_wait3A_80, %dma_wait3A_86] : memref<4x64xi32, #tpu.memory_space<vmem>> -> memref<1x64xi32, #tpu.memory_space<vmem>>
    %dma_wait3A_88 = tpu.memref_squeeze %dma_wait3A_87 : memref<1x64xi32, #tpu.memory_space<vmem>> -> memref<64xi32, #tpu.memory_space<vmem>>
    %dma_wait3A_89 = tpu.memref_slice %arg2[%dma_wait3A_79, %mul3A_2] : memref<4x2048xi32, #tpu.memory_space<hbm>> -> memref<1x64xi32, #tpu.memory_space<hbm>>
    %dma_wait3A_90 = tpu.memref_squeeze %dma_wait3A_89 : memref<1x64xi32, #tpu.memory_space<hbm>> -> memref<64xi32, #tpu.memory_space<hbm>>
    tpu.wait_dma2 semaphore(%arg15 : memref<!tpu.dma_semaphore, #tpu.memory_space<semaphore_mem>>) src(%dma_wait3A_90 : memref<64xi32, #tpu.memory_space<hbm>>) dst(%dma_wait3A_88 : memref<64xi32, #tpu.memory_space<vmem>>)
    %add3A_91 = arith.constant 0 : i32
    %add3A_92 = arith.addi %mul3A_2, %add3A_91 : i32
    %dma_start3A_93 = arith.constant 1 : i32
    %dma_start3A_94 = arith.constant 0 : i32
    %dma_start3A_95 = tpu.memref_slice %arg5[%dma_start3A_93, %dma_start3A_94] : memref<4x64xi32, #tpu.memory_space<vmem>> -> memref<1x32xi32, #tpu.memory_space<vmem>>
    %dma_start3A_96 = tpu.memref_squeeze %dma_start3A_95 : memref<1x32xi32, #tpu.memory_space<vmem>> -> memref<32xi32, #tpu.memory_space<vmem>>
    %dma_start3A_97 = arith.constant 0 : i32
    %dma_start3A_98 = arith.constant 0 : i32
    %dma_start3A_99 = tpu.memref_slice %arg3[%dma_start3A_97, %dma_start3A_98] : memref<100000x1024xf32, #tpu.memory_space<hbm>> -> memref<100000x1024xf32, #tpu.memory_space<hbm>>
    tpu.enqueue_indirect_dma source(%dma_start3A_99 : memref<100000x1024xf32, #tpu.memory_space<hbm>>) target(%arg8 : memref<32x1024xf32, #tpu.memory_space<vmem>>) offsets(%dma_start3A_96 : memref<32xi32, #tpu.memory_space<vmem>>) semaphore(%arg11 : memref<!tpu.dma_semaphore, #tpu.memory_space<semaphore_mem>>)
    %dma_wait3A_100 = arith.constant 0 : i32
    %dma_wait3A_101 = arith.constant 0 : i32
    %dma_wait3A_102 = tpu.memref_slice %arg5[%dma_wait3A_100, %dma_wait3A_101] : memref<4x64xi32, #tpu.memory_space<vmem>> -> memref<1x32xi32, #tpu.memory_space<vmem>>
    %dma_wait3A_103 = tpu.memref_squeeze %dma_wait3A_102 : memref<1x32xi32, #tpu.memory_space<vmem>> -> memref<32xi32, #tpu.memory_space<vmem>>
    %dma_wait3A_104 = arith.constant 0 : i32
    %dma_wait3A_105 = arith.constant 0 : i32
    %dma_wait3A_106 = tpu.memref_slice %arg3[%dma_wait3A_104, %dma_wait3A_105] : memref<100000x1024xf32, #tpu.memory_space<hbm>> -> memref<100000x1024xf32, #tpu.memory_space<hbm>>
    tpu.wait_indirect_dma semaphore(%arg9 : memref<!tpu.dma_semaphore, #tpu.memory_space<semaphore_mem>>) src(%dma_wait3A_106 : memref<100000x1024xf32, #tpu.memory_space<hbm>>) dst(%arg6 : memref<32x1024xf32, #tpu.memory_space<vmem>>)
    %add3A_107 = arith.constant 0 : i32
    %add3A_108 = arith.addi %mul3A_2, %add3A_107 : i32
    %dma_start3A_109 = arith.constant 0 : i32
    %dma_start3A_110 = arith.constant 0 : i32
    %dma_start3A_111 = tpu.memref_slice %arg4[%add3A_108, %dma_start3A_109, %dma_start3A_110] : memref<2048x4x1024xf32, #tpu.memory_space<hbm>> -> memref<32x1x1024xf32, #tpu.memory_space<hbm>>
    %dma_start3A_112 = tpu.memref_squeeze %dma_start3A_111 : memref<32x1x1024xf32, #tpu.memory_space<hbm>> -> memref<32x1024xf32, #tpu.memory_space<hbm>>
    %dma_start3A_113 = arith.constant 0 : i32
    %dma_start3A_114 = tpu.memref_slice %arg4[%add3A_108, %dma_start3A_109, %dma_start3A_113] : memref<2048x4x1024xf32, #tpu.memory_space<hbm>> -> memref<32x1x1024xf32, #tpu.memory_space<hbm>>
    %dma_start3A_115 = tpu.memref_squeeze %dma_start3A_114 : memref<32x1x1024xf32, #tpu.memory_space<hbm>> -> memref<32x1024xf32, #tpu.memory_space<hbm>>
    tpu.enqueue_dma source(%arg6 : memref<32x1024xf32, #tpu.memory_space<vmem>>) target(%dma_start3A_115 : memref<32x1024xf32, #tpu.memory_space<hbm>>) target_semaphore(%arg12 : memref<!tpu.dma_semaphore, #tpu.memory_space<semaphore_mem>>)
    %dma_wait3A_116 = arith.constant 0 : i32
    %dma_wait3A_117 = arith.constant 0 : i32
    %dma_wait3A_118 = tpu.memref_slice %arg4[%add3A_108, %dma_wait3A_116, %dma_wait3A_117] : memref<2048x4x1024xf32, #tpu.memory_space<hbm>> -> memref<32x1x1024xf32, #tpu.memory_space<hbm>>
    %dma_wait3A_119 = tpu.memref_squeeze %dma_wait3A_118 : memref<32x1x1024xf32, #tpu.memory_space<hbm>> -> memref<32x1024xf32, #tpu.memory_space<hbm>>
    %dma_wait3A_120 = arith.constant 0 : i32
    %dma_wait3A_121 = tpu.memref_slice %arg4[%add3A_108, %dma_wait3A_116, %dma_wait3A_120] : memref<2048x4x1024xf32, #tpu.memory_space<hbm>> -> memref<32x1x1024xf32, #tpu.memory_space<hbm>>
    %dma_wait3A_122 = tpu.memref_squeeze %dma_wait3A_121 : memref<32x1x1024xf32, #tpu.memory_space<hbm>> -> memref<32x1024xf32, #tpu.memory_space<hbm>>
    tpu.wait_dma2 semaphore(%arg12 : memref<!tpu.dma_semaphore, #tpu.memory_space<semaphore_mem>>) src(%arg6 : memref<32x1024xf32, #tpu.memory_space<vmem>>) dst(%dma_wait3A_122 : memref<32x1024xf32, #tpu.memory_space<hbm>>)
    %add3A_123 = arith.constant 32 : i32
    %add3A_124 = arith.addi %mul3A_2, %add3A_123 : i32
    %dma_start3A_125 = arith.constant 1 : i32
    %dma_start3A_126 = arith.constant 32 : i32
    %dma_start3A_127 = tpu.memref_slice %arg5[%dma_start3A_125, %dma_start3A_126] : memref<4x64xi32, #tpu.memory_space<vmem>> -> memref<1x32xi32, #tpu.memory_space<vmem>>
    %dma_start3A_128 = tpu.memref_squeeze %dma_start3A_127 : memref<1x32xi32, #tpu.memory_space<vmem>> -> memref<32xi32, #tpu.memory_space<vmem>>
    %dma_start3A_129 = arith.constant 0 : i32
    %dma_start3A_130 = arith.constant 0 : i32
    %dma_start3A_131 = tpu.memref_slice %arg3[%dma_start3A_129, %dma_start3A_130] : memref<100000x1024xf32, #tpu.memory_space<hbm>> -> memref<100000x1024xf32, #tpu.memory_space<hbm>>
    tpu.enqueue_indirect_dma source(%dma_start3A_131 : memref<100000x1024xf32, #tpu.memory_space<hbm>>) target(%arg6 : memref<32x1024xf32, #tpu.memory_space<vmem>>) offsets(%dma_start3A_128 : memref<32xi32, #tpu.memory_space<vmem>>) semaphore(%arg9 : memref<!tpu.dma_semaphore, #tpu.memory_space<semaphore_mem>>)
    %dma_wait3A_132 = arith.constant 0 : i32
    %dma_wait3A_133 = arith.constant 32 : i32
    %dma_wait3A_134 = tpu.memref_slice %arg5[%dma_wait3A_132, %dma_wait3A_133] : memref<4x64xi32, #tpu.memory_space<vmem>> -> memref<1x32xi32, #tpu.memory_space<vmem>>
    %dma_wait3A_135 = tpu.memref_squeeze %dma_wait3A_134 : memref<1x32xi32, #tpu.memory_space<vmem>> -> memref<32xi32, #tpu.memory_space<vmem>>
    %dma_wait3A_136 = arith.constant 0 : i32
    %dma_wait3A_137 = arith.constant 0 : i32
    %dma_wait3A_138 = tpu.memref_slice %arg3[%dma_wait3A_136, %dma_wait3A_137] : memref<100000x1024xf32, #tpu.memory_space<hbm>> -> memref<100000x1024xf32, #tpu.memory_space<hbm>>
    tpu.wait_indirect_dma semaphore(%arg10 : memref<!tpu.dma_semaphore, #tpu.memory_space<semaphore_mem>>) src(%dma_wait3A_138 : memref<100000x1024xf32, #tpu.memory_space<hbm>>) dst(%arg7 : memref<32x1024xf32, #tpu.memory_space<vmem>>)
    %add3A_139 = arith.constant 32 : i32
    %add3A_140 = arith.addi %mul3A_2, %add3A_139 : i32
    %dma_start3A_141 = arith.constant 0 : i32
    %dma_start3A_142 = arith.constant 0 : i32
    %dma_start3A_143 = tpu.memref_slice %arg4[%add3A_140, %dma_start3A_141, %dma_start3A_142] : memref<2048x4x1024xf32, #tpu.memory_space<hbm>> -> memref<32x1x1024xf32, #tpu.memory_space<hbm>>
    %dma_start3A_144 = tpu.memref_squeeze %dma_start3A_143 : memref<32x1x1024xf32, #tpu.memory_space<hbm>> -> memref<32x1024xf32, #tpu.memory_space<hbm>>
    %dma_start3A_145 = arith.constant 0 : i32
    %dma_start3A_146 = tpu.memref_slice %arg4[%add3A_140, %dma_start3A_141, %dma_start3A_145] : memref<2048x4x1024xf32, #tpu.memory_space<hbm>> -> memref<32x1x1024xf32, #tpu.memory_space<hbm>>
    %dma_start3A_147 = tpu.memref_squeeze %dma_start3A_146 : memref<32x1x1024xf32, #tpu.memory_space<hbm>> -> memref<32x1024xf32, #tpu.memory_space<hbm>>
    tpu.enqueue_dma source(%arg7 : memref<32x1024xf32, #tpu.memory_space<vmem>>) target(%dma_start3A_147 : memref<32x1024xf32, #tpu.memory_space<hbm>>) target_semaphore(%arg13 : memref<!tpu.dma_semaphore, #tpu.memory_space<semaphore_mem>>)
    %dma_wait3A_148 = arith.constant 0 : i32
    %dma_wait3A_149 = arith.constant 0 : i32
    %dma_wait3A_150 = tpu.memref_slice %arg4[%add3A_140, %dma_wait3A_148, %dma_wait3A_149] : memref<2048x4x1024xf32, #tpu.memory_space<hbm>> -> memref<32x1x1024xf32, #tpu.memory_space<hbm>>
    %dma_wait3A_151 = tpu.memref_squeeze %dma_wait3A_150 : memref<32x1x1024xf32, #tpu.memory_space<hbm>> -> memref<32x1024xf32, #tpu.memory_space<hbm>>
    %dma_wait3A_152 = arith.constant 0 : i32
    %dma_wait3A_153 = tpu.memref_slice %arg4[%add3A_140, %dma_wait3A_148, %dma_wait3A_152] : memref<2048x4x1024xf32, #tpu.memory_space<hbm>> -> memref<32x1x1024xf32, #tpu.memory_space<hbm>>
    %dma_wait3A_154 = tpu.memref_squeeze %dma_wait3A_153 : memref<32x1x1024xf32, #tpu.memory_space<hbm>> -> memref<32x1024xf32, #tpu.memory_space<hbm>>
    tpu.wait_dma2 semaphore(%arg13 : memref<!tpu.dma_semaphore, #tpu.memory_space<semaphore_mem>>) src(%arg7 : memref<32x1024xf32, #tpu.memory_space<vmem>>) dst(%dma_wait3A_154 : memref<32x1024xf32, #tpu.memory_space<hbm>>)
    %dma_wait3A_155 = arith.constant 2 : i32
    %dma_wait3A_156 = arith.constant 2 : i32
    %dma_wait3A_157 = arith.constant 0 : i32
    %dma_wait3A_158 = tpu.memref_slice %arg5[%dma_wait3A_156, %dma_wait3A_157] : memref<4x64xi32, #tpu.memory_space<vmem>> -> memref<1x64xi32, #tpu.memory_space<vmem>>
    %dma_wait3A_159 = tpu.memref_squeeze %dma_wait3A_158 : memref<1x64xi32, #tpu.memory_space<vmem>> -> memref<64xi32, #tpu.memory_space<vmem>>
    %dma_wait3A_160 = tpu.memref_slice %arg2[%dma_wait3A_155, %mul3A_2] : memref<4x2048xi32, #tpu.memory_space<hbm>> -> memref<1x64xi32, #tpu.memory_space<hbm>>
    %dma_wait3A_161 = tpu.memref_squeeze %dma_wait3A_160 : memref<1x64xi32, #tpu.memory_space<hbm>> -> memref<64xi32, #tpu.memory_space<hbm>>
    %dma_wait3A_162 = arith.constant 0 : i32
    %dma_wait3A_163 = tpu.memref_slice %arg5[%dma_wait3A_156, %dma_wait3A_162] : memref<4x64xi32, #tpu.memory_space<vmem>> -> memref<1x64xi32, #tpu.memory_space<vmem>>
    %dma_wait3A_164 = tpu.memref_squeeze %dma_wait3A_163 : memref<1x64xi32, #tpu.memory_space<vmem>> -> memref<64xi32, #tpu.memory_space<vmem>>
    %dma_wait3A_165 = tpu.memref_slice %arg2[%dma_wait3A_155, %mul3A_2] : memref<4x2048xi32, #tpu.memory_space<hbm>> -> memref<1x64xi32, #tpu.memory_space<hbm>>
    %dma_wait3A_166 = tpu.memref_squeeze %dma_wait3A_165 : memref<1x64xi32, #tpu.memory_space<hbm>> -> memref<64xi32, #tpu.memory_space<hbm>>
    tpu.wait_dma2 semaphore(%arg15 : memref<!tpu.dma_semaphore, #tpu.memory_space<semaphore_mem>>) src(%dma_wait3A_166 : memref<64xi32, #tpu.memory_space<hbm>>) dst(%dma_wait3A_164 : memref<64xi32, #tpu.memory_space<vmem>>)
    %add3A_167 = arith.constant 0 : i32
    %add3A_168 = arith.addi %mul3A_2, %add3A_167 : i32
    %dma_start3A_169 = arith.constant 2 : i32
    %dma_start3A_170 = arith.constant 0 : i32
    %dma_start3A_171 = tpu.memref_slice %arg5[%dma_start3A_169, %dma_start3A_170] : memref<4x64xi32, #tpu.memory_space<vmem>> -> memref<1x32xi32, #tpu.memory_space<vmem>>
    %dma_start3A_172 = tpu.memref_squeeze %dma_start3A_171 : memref<1x32xi32, #tpu.memory_space<vmem>> -> memref<32xi32, #tpu.memory_space<vmem>>
    %dma_start3A_173 = arith.constant 0 : i32
    %dma_start3A_174 = arith.constant 0 : i32
    %dma_start3A_175 = tpu.memref_slice %arg3[%dma_start3A_173, %dma_start3A_174] : memref<100000x1024xf32, #tpu.memory_space<hbm>> -> memref<100000x1024xf32, #tpu.memory_space<hbm>>
    tpu.enqueue_indirect_dma source(%dma_start3A_175 : memref<100000x1024xf32, #tpu.memory_space<hbm>>) target(%arg7 : memref<32x1024xf32, #tpu.memory_space<vmem>>) offsets(%dma_start3A_172 : memref<32xi32, #tpu.memory_space<vmem>>) semaphore(%arg10 : memref<!tpu.dma_semaphore, #tpu.memory_space<semaphore_mem>>)
    %dma_wait3A_176 = arith.constant 1 : i32
    %dma_wait3A_177 = arith.constant 0 : i32
    %dma_wait3A_178 = tpu.memref_slice %arg5[%dma_wait3A_176, %dma_wait3A_177] : memref<4x64xi32, #tpu.memory_space<vmem>> -> memref<1x32xi32, #tpu.memory_space<vmem>>
    %dma_wait3A_179 = tpu.memref_squeeze %dma_wait3A_178 : memref<1x32xi32, #tpu.memory_space<vmem>> -> memref<32xi32, #tpu.memory_space<vmem>>
    %dma_wait3A_180 = arith.constant 0 : i32
    %dma_wait3A_181 = arith.constant 0 : i32
    %dma_wait3A_182 = tpu.memref_slice %arg3[%dma_wait3A_180, %dma_wait3A_181] : memref<100000x1024xf32, #tpu.memory_space<hbm>> -> memref<100000x1024xf32, #tpu.memory_space<hbm>>
    tpu.wait_indirect_dma semaphore(%arg11 : memref<!tpu.dma_semaphore, #tpu.memory_space<semaphore_mem>>) src(%dma_wait3A_182 : memref<100000x1024xf32, #tpu.memory_space<hbm>>) dst(%arg8 : memref<32x1024xf32, #tpu.memory_space<vmem>>)
    %add3A_183 = arith.constant 0 : i32
    %add3A_184 = arith.addi %mul3A_2, %add3A_183 : i32
    %dma_start3A_185 = arith.constant 1 : i32
    %dma_start3A_186 = arith.constant 0 : i32
    %dma_start3A_187 = tpu.memref_slice %arg4[%add3A_184, %dma_start3A_185, %dma_start3A_186] : memref<2048x4x1024xf32, #tpu.memory_space<hbm>> -> memref<32x1x1024xf32, #tpu.memory_space<hbm>>
    %dma_start3A_188 = tpu.memref_squeeze %dma_start3A_187 : memref<32x1x1024xf32, #tpu.memory_space<hbm>> -> memref<32x1024xf32, #tpu.memory_space<hbm>>
    %dma_start3A_189 = arith.constant 0 : i32
    %dma_start3A_190 = tpu.memref_slice %arg4[%add3A_184, %dma_start3A_185, %dma_start3A_189] : memref<2048x4x1024xf32, #tpu.memory_space<hbm>> -> memref<32x1x1024xf32, #tpu.memory_space<hbm>>
    %dma_start3A_191 = tpu.memref_squeeze %dma_start3A_190 : memref<32x1x1024xf32, #tpu.memory_space<hbm>> -> memref<32x1024xf32, #tpu.memory_space<hbm>>
    tpu.enqueue_dma source(%arg8 : memref<32x1024xf32, #tpu.memory_space<vmem>>) target(%dma_start3A_191 : memref<32x1024xf32, #tpu.memory_space<hbm>>) target_semaphore(%arg14 : memref<!tpu.dma_semaphore, #tpu.memory_space<semaphore_mem>>)
    %dma_wait3A_192 = arith.constant 1 : i32
    %dma_wait3A_193 = arith.constant 0 : i32
    %dma_wait3A_194 = tpu.memref_slice %arg4[%add3A_184, %dma_wait3A_192, %dma_wait3A_193] : memref<2048x4x1024xf32, #tpu.memory_space<hbm>> -> memref<32x1x1024xf32, #tpu.memory_space<hbm>>
    %dma_wait3A_195 = tpu.memref_squeeze %dma_wait3A_194 : memref<32x1x1024xf32, #tpu.memory_space<hbm>> -> memref<32x1024xf32, #tpu.memory_space<hbm>>
    %dma_wait3A_196 = arith.constant 0 : i32
    %dma_wait3A_197 = tpu.memref_slice %arg4[%add3A_184, %dma_wait3A_192, %dma_wait3A_196] : memref<2048x4x1024xf32, #tpu.memory_space<hbm>> -> memref<32x1x1024xf32, #tpu.memory_space<hbm>>
    %dma_wait3A_198 = tpu.memref_squeeze %dma_wait3A_197 : memref<32x1x1024xf32, #tpu.memory_space<hbm>> -> memref<32x1024xf32, #tpu.memory_space<hbm>>
    tpu.wait_dma2 semaphore(%arg14 : memref<!tpu.dma_semaphore, #tpu.memory_space<semaphore_mem>>) src(%arg8 : memref<32x1024xf32, #tpu.memory_space<vmem>>) dst(%dma_wait3A_198 : memref<32x1024xf32, #tpu.memory_space<hbm>>)
    %add3A_199 = arith.constant 32 : i32
    %add3A_200 = arith.addi %mul3A_2, %add3A_199 : i32
    %dma_start3A_201 = arith.constant 2 : i32
    %dma_start3A_202 = arith.constant 32 : i32
    %dma_start3A_203 = tpu.memref_slice %arg5[%dma_start3A_201, %dma_start3A_202] : memref<4x64xi32, #tpu.memory_space<vmem>> -> memref<1x32xi32, #tpu.memory_space<vmem>>
    %dma_start3A_204 = tpu.memref_squeeze %dma_start3A_203 : memref<1x32xi32, #tpu.memory_space<vmem>> -> memref<32xi32, #tpu.memory_space<vmem>>
    %dma_start3A_205 = arith.constant 0 : i32
    %dma_start3A_206 = arith.constant 0 : i32
    %dma_start3A_207 = tpu.memref_slice %arg3[%dma_start3A_205, %dma_start3A_206] : memref<100000x1024xf32, #tpu.memory_space<hbm>> -> memref<100000x1024xf32, #tpu.memory_space<hbm>>
    tpu.enqueue_indirect_dma source(%dma_start3A_207 : memref<100000x1024xf32, #tpu.memory_space<hbm>>) target(%arg8 : memref<32x1024xf32, #tpu.memory_space<vmem>>) offsets(%dma_start3A_204 : memref<32xi32, #tpu.memory_space<vmem>>) semaphore(%arg11 : memref<!tpu.dma_semaphore, #tpu.memory_space<semaphore_mem>>)
    %dma_wait3A_208 = arith.constant 1 : i32
    %dma_wait3A_209 = arith.constant 32 : i32
    %dma_wait3A_210 = tpu.memref_slice %arg5[%dma_wait3A_208, %dma_wait3A_209] : memref<4x64xi32, #tpu.memory_space<vmem>> -> memref<1x32xi32, #tpu.memory_space<vmem>>
    %dma_wait3A_211 = tpu.memref_squeeze %dma_wait3A_210 : memref<1x32xi32, #tpu.memory_space<vmem>> -> memref<32xi32, #tpu.memory_space<vmem>>
    %dma_wait3A_212 = arith.constant 0 : i32
    %dma_wait3A_213 = arith.constant 0 : i32
    %dma_wait3A_214 = tpu.memref_slice %arg3[%dma_wait3A_212, %dma_wait3A_213] : memref<100000x1024xf32, #tpu.memory_space<hbm>> -> memref<100000x1024xf32, #tpu.memory_space<hbm>>
    tpu.wait_indirect_dma semaphore(%arg9 : memref<!tpu.dma_semaphore, #tpu.memory_space<semaphore_mem>>) src(%dma_wait3A_214 : memref<100000x1024xf32, #tpu.memory_space<hbm>>) dst(%arg6 : memref<32x1024xf32, #tpu.memory_space<vmem>>)
    %add3A_215 = arith.constant 32 : i32
    %add3A_216 = arith.addi %mul3A_2, %add3A_215 : i32
    %dma_start3A_217 = arith.constant 1 : i32
    %dma_start3A_218 = arith.constant 0 : i32
    %dma_start3A_219 = tpu.memref_slice %arg4[%add3A_216, %dma_start3A_217, %dma_start3A_218] : memref<2048x4x1024xf32, #tpu.memory_space<hbm>> -> memref<32x1x1024xf32, #tpu.memory_space<hbm>>
    %dma_start3A_220 = tpu.memref_squeeze %dma_start3A_219 : memref<32x1x1024xf32, #tpu.memory_space<hbm>> -> memref<32x1024xf32, #tpu.memory_space<hbm>>
    %dma_start3A_221 = arith.constant 0 : i32
    %dma_start3A_222 = tpu.memref_slice %arg4[%add3A_216, %dma_start3A_217, %dma_start3A_221] : memref<2048x4x1024xf32, #tpu.memory_space<hbm>> -> memref<32x1x1024xf32, #tpu.memory_space<hbm>>
    %dma_start3A_223 = tpu.memref_squeeze %dma_start3A_222 : memref<32x1x1024xf32, #tpu.memory_space<hbm>> -> memref<32x1024xf32, #tpu.memory_space<hbm>>
    tpu.enqueue_dma source(%arg6 : memref<32x1024xf32, #tpu.memory_space<vmem>>) target(%dma_start3A_223 : memref<32x1024xf32, #tpu.memory_space<hbm>>) target_semaphore(%arg12 : memref<!tpu.dma_semaphore, #tpu.memory_space<semaphore_mem>>)
    %dma_wait3A_224 = arith.constant 1 : i32
    %dma_wait3A_225 = arith.constant 0 : i32
    %dma_wait3A_226 = tpu.memref_slice %arg4[%add3A_216, %dma_wait3A_224, %dma_wait3A_225] : memref<2048x4x1024xf32, #tpu.memory_space<hbm>> -> memref<32x1x1024xf32, #tpu.memory_space<hbm>>
    %dma_wait3A_227 = tpu.memref_squeeze %dma_wait3A_226 : memref<32x1x1024xf32, #tpu.memory_space<hbm>> -> memref<32x1024xf32, #tpu.memory_space<hbm>>
    %dma_wait3A_228 = arith.constant 0 : i32
    %dma_wait3A_229 = tpu.memref_slice %arg4[%add3A_216, %dma_wait3A_224, %dma_wait3A_228] : memref<2048x4x1024xf32, #tpu.memory_space<hbm>> -> memref<32x1x1024xf32, #tpu.memory_space<hbm>>
    %dma_wait3A_230 = tpu.memref_squeeze %dma_wait3A_229 : memref<32x1x1024xf32, #tpu.memory_space<hbm>> -> memref<32x1024xf32, #tpu.memory_space<hbm>>
    tpu.wait_dma2 semaphore(%arg12 : memref<!tpu.dma_semaphore, #tpu.memory_space<semaphore_mem>>) src(%arg6 : memref<32x1024xf32, #tpu.memory_space<vmem>>) dst(%dma_wait3A_230 : memref<32x1024xf32, #tpu.memory_space<hbm>>)
    %dma_wait3A_231 = arith.constant 3 : i32
    %dma_wait3A_232 = arith.constant 3 : i32
    %dma_wait3A_233 = arith.constant 0 : i32
    %dma_wait3A_234 = tpu.memref_slice %arg5[%dma_wait3A_232, %dma_wait3A_233] : memref<4x64xi32, #tpu.memory_space<vmem>> -> memref<1x64xi32, #tpu.memory_space<vmem>>
    %dma_wait3A_235 = tpu.memref_squeeze %dma_wait3A_234 : memref<1x64xi32, #tpu.memory_space<vmem>> -> memref<64xi32, #tpu.memory_space<vmem>>
    %dma_wait3A_236 = tpu.memref_slice %arg2[%dma_wait3A_231, %mul3A_2] : memref<4x2048xi32, #tpu.memory_space<hbm>> -> memref<1x64xi32, #tpu.memory_space<hbm>>
    %dma_wait3A_237 = tpu.memref_squeeze %dma_wait3A_236 : memref<1x64xi32, #tpu.memory_space<hbm>> -> memref<64xi32, #tpu.memory_space<hbm>>
    %dma_wait3A_238 = arith.constant 0 : i32
    %dma_wait3A_239 = tpu.memref_slice %arg5[%dma_wait3A_232, %dma_wait3A_238] : memref<4x64xi32, #tpu.memory_space<vmem>> -> memref<1x64xi32, #tpu.memory_space<vmem>>
    %dma_wait3A_240 = tpu.memref_squeeze %dma_wait3A_239 : memref<1x64xi32, #tpu.memory_space<vmem>> -> memref<64xi32, #tpu.memory_space<vmem>>
    %dma_wait3A_241 = tpu.memref_slice %arg2[%dma_wait3A_231, %mul3A_2] : memref<4x2048xi32, #tpu.memory_space<hbm>> -> memref<1x64xi32, #tpu.memory_space<hbm>>
    %dma_wait3A_242 = tpu.memref_squeeze %dma_wait3A_241 : memref<1x64xi32, #tpu.memory_space<hbm>> -> memref<64xi32, #tpu.memory_space<hbm>>
    tpu.wait_dma2 semaphore(%arg15 : memref<!tpu.dma_semaphore, #tpu.memory_space<semaphore_mem>>) src(%dma_wait3A_242 : memref<64xi32, #tpu.memory_space<hbm>>) dst(%dma_wait3A_240 : memref<64xi32, #tpu.memory_space<vmem>>)
    %add3A_243 = arith.constant 0 : i32
    %add3A_244 = arith.addi %mul3A_2, %add3A_243 : i32
    %dma_start3A_245 = arith.constant 3 : i32
    %dma_start3A_246 = arith.constant 0 : i32
    %dma_start3A_247 = tpu.memref_slice %arg5[%dma_start3A_245, %dma_start3A_246] : memref<4x64xi32, #tpu.memory_space<vmem>> -> memref<1x32xi32, #tpu.memory_space<vmem>>
    %dma_start3A_248 = tpu.memref_squeeze %dma_start3A_247 : memref<1x32xi32, #tpu.memory_space<vmem>> -> memref<32xi32, #tpu.memory_space<vmem>>
    %dma_start3A_249 = arith.constant 0 : i32
    %dma_start3A_250 = arith.constant 0 : i32
    %dma_start3A_251 = tpu.memref_slice %arg3[%dma_start3A_249, %dma_start3A_250] : memref<100000x1024xf32, #tpu.memory_space<hbm>> -> memref<100000x1024xf32, #tpu.memory_space<hbm>>
    tpu.enqueue_indirect_dma source(%dma_start3A_251 : memref<100000x1024xf32, #tpu.memory_space<hbm>>) target(%arg6 : memref<32x1024xf32, #tpu.memory_space<vmem>>) offsets(%dma_start3A_248 : memref<32xi32, #tpu.memory_space<vmem>>) semaphore(%arg9 : memref<!tpu.dma_semaphore, #tpu.memory_space<semaphore_mem>>)
    %dma_wait3A_252 = arith.constant 2 : i32
    %dma_wait3A_253 = arith.constant 0 : i32
    %dma_wait3A_254 = tpu.memref_slice %arg5[%dma_wait3A_252, %dma_wait3A_253] : memref<4x64xi32, #tpu.memory_space<vmem>> -> memref<1x32xi32, #tpu.memory_space<vmem>>
    %dma_wait3A_255 = tpu.memref_squeeze %dma_wait3A_254 : memref<1x32xi32, #tpu.memory_space<vmem>> -> memref<32xi32, #tpu.memory_space<vmem>>
    %dma_wait3A_256 = arith.constant 0 : i32
    %dma_wait3A_257 = arith.constant 0 : i32
    %dma_wait3A_258 = tpu.memref_slice %arg3[%dma_wait3A_256, %dma_wait3A_257] : memref<100000x1024xf32, #tpu.memory_space<hbm>> -> memref<100000x1024xf32, #tpu.memory_space<hbm>>
    tpu.wait_indirect_dma semaphore(%arg10 : memref<!tpu.dma_semaphore, #tpu.memory_space<semaphore_mem>>) src(%dma_wait3A_258 : memref<100000x1024xf32, #tpu.memory_space<hbm>>) dst(%arg7 : memref<32x1024xf32, #tpu.memory_space<vmem>>)
    %add3A_259 = arith.constant 0 : i32
    %add3A_260 = arith.addi %mul3A_2, %add3A_259 : i32
    %dma_start3A_261 = arith.constant 2 : i32
    %dma_start3A_262 = arith.constant 0 : i32
    %dma_start3A_263 = tpu.memref_slice %arg4[%add3A_260, %dma_start3A_261, %dma_start3A_262] : memref<2048x4x1024xf32, #tpu.memory_space<hbm>> -> memref<32x1x1024xf32, #tpu.memory_space<hbm>>
    %dma_start3A_264 = tpu.memref_squeeze %dma_start3A_263 : memref<32x1x1024xf32, #tpu.memory_space<hbm>> -> memref<32x1024xf32, #tpu.memory_space<hbm>>
    %dma_start3A_265 = arith.constant 0 : i32
    %dma_start3A_266 = tpu.memref_slice %arg4[%add3A_260, %dma_start3A_261, %dma_start3A_265] : memref<2048x4x1024xf32, #tpu.memory_space<hbm>> -> memref<32x1x1024xf32, #tpu.memory_space<hbm>>
    %dma_start3A_267 = tpu.memref_squeeze %dma_start3A_266 : memref<32x1x1024xf32, #tpu.memory_space<hbm>> -> memref<32x1024xf32, #tpu.memory_space<hbm>>
    tpu.enqueue_dma source(%arg7 : memref<32x1024xf32, #tpu.memory_space<vmem>>) target(%dma_start3A_267 : memref<32x1024xf32, #tpu.memory_space<hbm>>) target_semaphore(%arg13 : memref<!tpu.dma_semaphore, #tpu.memory_space<semaphore_mem>>)
    %dma_wait3A_268 = arith.constant 2 : i32
    %dma_wait3A_269 = arith.constant 0 : i32
    %dma_wait3A_270 = tpu.memref_slice %arg4[%add3A_260, %dma_wait3A_268, %dma_wait3A_269] : memref<2048x4x1024xf32, #tpu.memory_space<hbm>> -> memref<32x1x1024xf32, #tpu.memory_space<hbm>>
    %dma_wait3A_271 = tpu.memref_squeeze %dma_wait3A_270 : memref<32x1x1024xf32, #tpu.memory_space<hbm>> -> memref<32x1024xf32, #tpu.memory_space<hbm>>
    %dma_wait3A_272 = arith.constant 0 : i32
    %dma_wait3A_273 = tpu.memref_slice %arg4[%add3A_260, %dma_wait3A_268, %dma_wait3A_272] : memref<2048x4x1024xf32, #tpu.memory_space<hbm>> -> memref<32x1x1024xf32, #tpu.memory_space<hbm>>
    %dma_wait3A_274 = tpu.memref_squeeze %dma_wait3A_273 : memref<32x1x1024xf32, #tpu.memory_space<hbm>> -> memref<32x1024xf32, #tpu.memory_space<hbm>>
    tpu.wait_dma2 semaphore(%arg13 : memref<!tpu.dma_semaphore, #tpu.memory_space<semaphore_mem>>) src(%arg7 : memref<32x1024xf32, #tpu.memory_space<vmem>>) dst(%dma_wait3A_274 : memref<32x1024xf32, #tpu.memory_space<hbm>>)
    %add3A_275 = arith.constant 32 : i32
    %add3A_276 = arith.addi %mul3A_2, %add3A_275 : i32
    %dma_start3A_277 = arith.constant 3 : i32
    %dma_start3A_278 = arith.constant 32 : i32
    %dma_start3A_279 = tpu.memref_slice %arg5[%dma_start3A_277, %dma_start3A_278] : memref<4x64xi32, #tpu.memory_space<vmem>> -> memref<1x32xi32, #tpu.memory_space<vmem>>
    %dma_start3A_280 = tpu.memref_squeeze %dma_start3A_279 : memref<1x32xi32, #tpu.memory_space<vmem>> -> memref<32xi32, #tpu.memory_space<vmem>>
    %dma_start3A_281 = arith.constant 0 : i32
    %dma_start3A_282 = arith.constant 0 : i32
    %dma_start3A_283 = tpu.memref_slice %arg3[%dma_start3A_281, %dma_start3A_282] : memref<100000x1024xf32, #tpu.memory_space<hbm>> -> memref<100000x1024xf32, #tpu.memory_space<hbm>>
    tpu.enqueue_indirect_dma source(%dma_start3A_283 : memref<100000x1024xf32, #tpu.memory_space<hbm>>) target(%arg7 : memref<32x1024xf32, #tpu.memory_space<vmem>>) offsets(%dma_start3A_280 : memref<32xi32, #tpu.memory_space<vmem>>) semaphore(%arg10 : memref<!tpu.dma_semaphore, #tpu.memory_space<semaphore_mem>>)
    %dma_wait3A_284 = arith.constant 2 : i32
    %dma_wait3A_285 = arith.constant 32 : i32
    %dma_wait3A_286 = tpu.memref_slice %arg5[%dma_wait3A_284, %dma_wait3A_285] : memref<4x64xi32, #tpu.memory_space<vmem>> -> memref<1x32xi32, #tpu.memory_space<vmem>>
    %dma_wait3A_287 = tpu.memref_squeeze %dma_wait3A_286 : memref<1x32xi32, #tpu.memory_space<vmem>> -> memref<32xi32, #tpu.memory_space<vmem>>
    %dma_wait3A_288 = arith.constant 0 : i32
    %dma_wait3A_289 = arith.constant 0 : i32
    %dma_wait3A_290 = tpu.memref_slice %arg3[%dma_wait3A_288, %dma_wait3A_289] : memref<100000x1024xf32, #tpu.memory_space<hbm>> -> memref<100000x1024xf32, #tpu.memory_space<hbm>>
    tpu.wait_indirect_dma semaphore(%arg11 : memref<!tpu.dma_semaphore, #tpu.memory_space<semaphore_mem>>) src(%dma_wait3A_290 : memref<100000x1024xf32, #tpu.memory_space<hbm>>) dst(%arg8 : memref<32x1024xf32, #tpu.memory_space<vmem>>)
    %add3A_291 = arith.constant 32 : i32
    %add3A_292 = arith.addi %mul3A_2, %add3A_291 : i32
    %dma_start3A_293 = arith.constant 2 : i32
    %dma_start3A_294 = arith.constant 0 : i32
    %dma_start3A_295 = tpu.memref_slice %arg4[%add3A_292, %dma_start3A_293, %dma_start3A_294] : memref<2048x4x1024xf32, #tpu.memory_space<hbm>> -> memref<32x1x1024xf32, #tpu.memory_space<hbm>>
    %dma_start3A_296 = tpu.memref_squeeze %dma_start3A_295 : memref<32x1x1024xf32, #tpu.memory_space<hbm>> -> memref<32x1024xf32, #tpu.memory_space<hbm>>
    %dma_start3A_297 = arith.constant 0 : i32
    %dma_start3A_298 = tpu.memref_slice %arg4[%add3A_292, %dma_start3A_293, %dma_start3A_297] : memref<2048x4x1024xf32, #tpu.memory_space<hbm>> -> memref<32x1x1024xf32, #tpu.memory_space<hbm>>
    %dma_start3A_299 = tpu.memref_squeeze %dma_start3A_298 : memref<32x1x1024xf32, #tpu.memory_space<hbm>> -> memref<32x1024xf32, #tpu.memory_space<hbm>>
    tpu.enqueue_dma source(%arg8 : memref<32x1024xf32, #tpu.memory_space<vmem>>) target(%dma_start3A_299 : memref<32x1024xf32, #tpu.memory_space<hbm>>) target_semaphore(%arg14 : memref<!tpu.dma_semaphore, #tpu.memory_space<semaphore_mem>>)
    %dma_wait3A_300 = arith.constant 3 : i32
    %dma_wait3A_301 = arith.constant 0 : i32
    %dma_wait3A_302 = tpu.memref_slice %arg5[%dma_wait3A_300, %dma_wait3A_301] : memref<4x64xi32, #tpu.memory_space<vmem>> -> memref<1x32xi32, #tpu.memory_space<vmem>>
    %dma_wait3A_303 = tpu.memref_squeeze %dma_wait3A_302 : memref<1x32xi32, #tpu.memory_space<vmem>> -> memref<32xi32, #tpu.memory_space<vmem>>
    %dma_wait3A_304 = arith.constant 0 : i32
    %dma_wait3A_305 = arith.constant 0 : i32
    %dma_wait3A_306 = tpu.memref_slice %arg3[%dma_wait3A_304, %dma_wait3A_305] : memref<100000x1024xf32, #tpu.memory_space<hbm>> -> memref<100000x1024xf32, #tpu.memory_space<hbm>>
    tpu.wait_indirect_dma semaphore(%arg9 : memref<!tpu.dma_semaphore, #tpu.memory_space<semaphore_mem>>) src(%dma_wait3A_306 : memref<100000x1024xf32, #tpu.memory_space<hbm>>) dst(%arg6 : memref<32x1024xf32, #tpu.memory_space<vmem>>)
    %add3A_307 = arith.constant 0 : i32
    %add3A_308 = arith.addi %mul3A_2, %add3A_307 : i32
    %dma_start3A_309 = arith.constant 3 : i32
    %dma_start3A_310 = arith.constant 0 : i32
    %dma_start3A_311 = tpu.memref_slice %arg4[%add3A_308, %dma_start3A_309, %dma_start3A_310] : memref<2048x4x1024xf32, #tpu.memory_space<hbm>> -> memref<32x1x1024xf32, #tpu.memory_space<hbm>>
    %dma_start3A_312 = tpu.memref_squeeze %dma_start3A_311 : memref<32x1x1024xf32, #tpu.memory_space<hbm>> -> memref<32x1024xf32, #tpu.memory_space<hbm>>
    %dma_start3A_313 = arith.constant 0 : i32
    %dma_start3A_314 = tpu.memref_slice %arg4[%add3A_308, %dma_start3A_309, %dma_start3A_313] : memref<2048x4x1024xf32, #tpu.memory_space<hbm>> -> memref<32x1x1024xf32, #tpu.memory_space<hbm>>
    %dma_start3A_315 = tpu.memref_squeeze %dma_start3A_314 : memref<32x1x1024xf32, #tpu.memory_space<hbm>> -> memref<32x1024xf32, #tpu.memory_space<hbm>>
    tpu.enqueue_dma source(%arg6 : memref<32x1024xf32, #tpu.memory_space<vmem>>) target(%dma_start3A_315 : memref<32x1024xf32, #tpu.memory_space<hbm>>) target_semaphore(%arg12 : memref<!tpu.dma_semaphore, #tpu.memory_space<semaphore_mem>>)
    %dma_wait3A_316 = arith.constant 3 : i32
    %dma_wait3A_317 = arith.constant 32 : i32
    %dma_wait3A_318 = tpu.memref_slice %arg5[%dma_wait3A_316, %dma_wait3A_317] : memref<4x64xi32, #tpu.memory_space<vmem>> -> memref<1x32xi32, #tpu.memory_space<vmem>>
    %dma_wait3A_319 = tpu.memref_squeeze %dma_wait3A_318 : memref<1x32xi32, #tpu.memory_space<vmem>> -> memref<32xi32, #tpu.memory_space<vmem>>
    %dma_wait3A_320 = arith.constant 0 : i32
    %dma_wait3A_321 = arith.constant 0 : i32
    %dma_wait3A_322 = tpu.memref_slice %arg3[%dma_wait3A_320, %dma_wait3A_321] : memref<100000x1024xf32, #tpu.memory_space<hbm>> -> memref<100000x1024xf32, #tpu.memory_space<hbm>>
    tpu.wait_indirect_dma semaphore(%arg10 : memref<!tpu.dma_semaphore, #tpu.memory_space<semaphore_mem>>) src(%dma_wait3A_322 : memref<100000x1024xf32, #tpu.memory_space<hbm>>) dst(%arg7 : memref<32x1024xf32, #tpu.memory_space<vmem>>)
    %add3A_323 = arith.constant 32 : i32
    %add3A_324 = arith.addi %mul3A_2, %add3A_323 : i32
    %dma_start3A_325 = arith.constant 3 : i32
    %dma_start3A_326 = arith.constant 0 : i32
    %dma_start3A_327 = tpu.memref_slice %arg4[%add3A_324, %dma_start3A_325, %dma_start3A_326] : memref<2048x4x1024xf32, #tpu.memory_space<hbm>> -> memref<32x1x1024xf32, #tpu.memory_space<hbm>>
    %dma_start3A_328 = tpu.memref_squeeze %dma_start3A_327 : memref<32x1x1024xf32, #tpu.memory_space<hbm>> -> memref<32x1024xf32, #tpu.memory_space<hbm>>
    %dma_start3A_329 = arith.constant 0 : i32
    %dma_start3A_330 = tpu.memref_slice %arg4[%add3A_324, %dma_start3A_325, %dma_start3A_329] : memref<2048x4x1024xf32, #tpu.memory_space<hbm>> -> memref<32x1x1024xf32, #tpu.memory_space<hbm>>
    %dma_start3A_331 = tpu.memref_squeeze %dma_start3A_330 : memref<32x1x1024xf32, #tpu.memory_space<hbm>> -> memref<32x1024xf32, #tpu.memory_space<hbm>>
    tpu.enqueue_dma source(%arg7 : memref<32x1024xf32, #tpu.memory_space<vmem>>) target(%dma_start3A_331 : memref<32x1024xf32, #tpu.memory_space<hbm>>) target_semaphore(%arg13 : memref<!tpu.dma_semaphore, #tpu.memory_space<semaphore_mem>>)
    %dma_wait3A_332 = arith.constant 3 : i32
    %dma_wait3A_333 = arith.constant 0 : i32
    %dma_wait3A_334 = tpu.memref_slice %arg4[%add3A_308, %dma_wait3A_332, %dma_wait3A_333] : memref<2048x4x1024xf32, #tpu.memory_space<hbm>> -> memref<32x1x1024xf32, #tpu.memory_space<hbm>>
    %dma_wait3A_335 = tpu.memref_squeeze %dma_wait3A_334 : memref<32x1x1024xf32, #tpu.memory_space<hbm>> -> memref<32x1024xf32, #tpu.memory_space<hbm>>
    %dma_wait3A_336 = arith.constant 0 : i32
    %dma_wait3A_337 = tpu.memref_slice %arg4[%add3A_308, %dma_wait3A_332, %dma_wait3A_336] : memref<2048x4x1024xf32, #tpu.memory_space<hbm>> -> memref<32x1x1024xf32, #tpu.memory_space<hbm>>
    %dma_wait3A_338 = tpu.memref_squeeze %dma_wait3A_337 : memref<32x1x1024xf32, #tpu.memory_space<hbm>> -> memref<32x1024xf32, #tpu.memory_space<hbm>>
    tpu.wait_dma2 semaphore(%arg12 : memref<!tpu.dma_semaphore, #tpu.memory_space<semaphore_mem>>) src(%arg6 : memref<32x1024xf32, #tpu.memory_space<vmem>>) dst(%dma_wait3A_338 : memref<32x1024xf32, #tpu.memory_space<hbm>>)
    %dma_wait3A_339 = arith.constant 3 : i32
    %dma_wait3A_340 = arith.constant 0 : i32
    %dma_wait3A_341 = tpu.memref_slice %arg4[%add3A_324, %dma_wait3A_339, %dma_wait3A_340] : memref<2048x4x1024xf32, #tpu.memory_space<hbm>> -> memref<32x1x1024xf32, #tpu.memory_space<hbm>>
    %dma_wait3A_342 = tpu.memref_squeeze %dma_wait3A_341 : memref<32x1x1024xf32, #tpu.memory_space<hbm>> -> memref<32x1024xf32, #tpu.memory_space<hbm>>
    %dma_wait3A_343 = arith.constant 0 : i32
    %dma_wait3A_344 = tpu.memref_slice %arg4[%add3A_324, %dma_wait3A_339, %dma_wait3A_343] : memref<2048x4x1024xf32, #tpu.memory_space<hbm>> -> memref<32x1x1024xf32, #tpu.memory_space<hbm>>
    %dma_wait3A_345 = tpu.memref_squeeze %dma_wait3A_344 : memref<32x1x1024xf32, #tpu.memory_space<hbm>> -> memref<32x1024xf32, #tpu.memory_space<hbm>>
    tpu.wait_dma2 semaphore(%arg13 : memref<!tpu.dma_semaphore, #tpu.memory_space<semaphore_mem>>) src(%arg7 : memref<32x1024xf32, #tpu.memory_space<vmem>>) dst(%dma_wait3A_345 : memref<32x1024xf32, #tpu.memory_space<hbm>>)
    %dma_wait3A_346 = arith.constant 2 : i32
    %dma_wait3A_347 = arith.constant 0 : i32
    %dma_wait3A_348 = tpu.memref_slice %arg4[%add3A_292, %dma_wait3A_346, %dma_wait3A_347] : memref<2048x4x1024xf32, #tpu.memory_space<hbm>> -> memref<32x1x1024xf32, #tpu.memory_space<hbm>>
    %dma_wait3A_349 = tpu.memref_squeeze %dma_wait3A_348 : memref<32x1x1024xf32, #tpu.memory_space<hbm>> -> memref<32x1024xf32, #tpu.memory_space<hbm>>
    %dma_wait3A_350 = arith.constant 0 : i32
    %dma_wait3A_351 = tpu.memref_slice %arg4[%add3A_292, %dma_wait3A_346, %dma_wait3A_350] : memref<2048x4x1024xf32, #tpu.memory_space<hbm>> -> memref<32x1x1024xf32, #tpu.memory_space<hbm>>
    %dma_wait3A_352 = tpu.memref_squeeze %dma_wait3A_351 : memref<32x1x1024xf32, #tpu.memory_space<hbm>> -> memref<32x1024xf32, #tpu.memory_space<hbm>>
    tpu.wait_dma2 semaphore(%arg14 : memref<!tpu.dma_semaphore, #tpu.memory_space<semaphore_mem>>) src(%arg8 : memref<32x1024xf32, #tpu.memory_space<vmem>>) dst(%dma_wait3A_352 : memref<32x1024xf32, #tpu.memory_space<hbm>>)
    return
  }
}

</mosaic_0001>

<sc_bundles>
// kernel: kernel.3.cloned.1.call-start
scs
__scs_entry_jumppad:
0x0: {  	(pc) =	sbr.rel $0x88, $3  }
0x1: {  	(tag) =	ssettag $0x0;
	lr =	simm.s32 $0x1  }
0x2: {  	[smem:$0x3F9F] =	sst lr;
	_ =	strace $0xD0000000  }
0x3: {  	_ = 	snop  }
0x4: {  	_ = 	snop  }
0x5: {  	_ = 	snop  }
0x6: {  	_ = 	snop  }
0x7: {  	_ = 	snop  }
__scs_overlays_trampoline_lowered:
0x8: {  	[smem:$0x3FAE] =	sst s0  }
0x9: {  	[smem:$0x3FAF] =	sst s1  }
0xa: {  	[smem:$0x3FB0] =	sst s2  }
0xb: {  	[smem:$0x3FB1] =	sst s3  }
0xc: {  	[smem:$0x3FB2] =	sst s4  }
0xd: {  	[smem:$0x3FB3] =	sst s5  }
0xe: {  	[smem:$0x3FB4] =	sst s6  }
0xf: {  	[smem:$0x3FB5] =	sst s7  }
0x10: {  	[smem:$0x3FB6] =	sst s8  }
0x11: {  	[smem:$0x3FB7] =	sst s9;
	s0 =	simm.s32 @!p0 $0x0  }
0x12: {  	s1 =	sld [smem:$0x3F9D];
	s0 =	simm.s32 @p0 $0x1  }
0x13: {  	[smem:$0x3FB8] =	sst s0;
	s0 =	simm.s32 @!p1 $0x0  }
0x14: {  	s2 =	sld [smem:$0x3F9C];
	s0 =	simm.s32 @p1 $0x1  }
0x15: {  	[smem:$0x3FB9] =	sst s0;
	s0 =	simm.s32 @!p2 $0x0  }
0x16: {  	s3 =	sld [smem:$0x3FDB];
	s0 =	simm.s32 @p2 $0x1  }
0x17: {  	s4 =	simm.s32 $0x1BF5;
	[smem:$0x3FBB] =	sst s0  }
0x18: {  	s0 =	sld [smem:$0x3F9E];
	_ =	swait.ge [sflag:s4], $0x0  }
0x19: {  	s7 =	sld [smem:$0x3F9F]  }
0x1a: {  	s8 =	sadd.s32 $0xFFFFE003, lr  }
0x1b: {  	s9 =	sadd.s32 $0xFFFFFEF7, lr;
	s5 =	simm.s32 $0xFFFFFFFF;
	p2 =	slt.u32 s8, $0xFFFFF086  }
0x1c: {  	p1 =	slt.u32 s9, $0xF7A;
	s5 =	simm.s32 @!p2 $0x0  }
0x1d: {  	s5 =	simm.s32 @p1 $0x1;
	p0 =	seq.s32 s7, s2  }
0x1e: {  	s7 =	smul.u32 @!p0 $0xF7A, s2;
	p2 =	seq.s32 @!p0 s5, $0x0  }
0x1f: {  	s9 =	smul.u32 $0xF7A, s1;
	s8 =	simm.s32 @!p0 $0x1BF5;
	p2 =	por !p2, p0  }
0x20: {  	[sflag:s8] =	ssyncset.s32 @!p0 $0xFFFFF086;
	s6 =	sadd.s32 @!p0 s3, s7;
	s7 =	simm.s32 @!p0 $0x108  }
0x21: {  	s3 =	sadd.s32 s3, s9;
	s6 =	sadd.s32 @!p0 $0x88, s6;
	s7 =	simm.s32 @p2 $0x1082  }
0x22: {  	[simem:s7], [sflag:s8] =	dma.local @!p0 [hbm:s6], $0xF7A  }
0x23: {  	s9 =	sor.u32 $0xD0000000, s2;
	s6 =	simm.s32 $0x108;
	_ =	swait.ge @!p0 [sflag:s8], $0x0  }
0x24: {  	s3 =	sadd.s32 $0x88, s3;
	s6 =	simm.s32 @!p1 $0x1082;
	[sflag:s4] =	ssyncset.s32 $0xFFFFF086  }
0x25: {  	[simem:s6], [sflag:s4] =	dma.local [hbm:s3], $0xF7A  }
0x26: {  	[smem:$0x3F9F] =	sst s1;
	(tag) =	ssettag s2;
	_ =	strace s9  }
0x27: {  	s1 =	sld [smem:$0x3FAF]  }
0x28: {  	s2 =	sld [smem:$0x3FB0]  }
0x29: {  	s4 =	sld [smem:$0x3FB2]  }
0x2a: {  	p0 =	seq.s32 s5, $0x0;
	s5 =	sld [smem:$0x3FB3]  }
0x2b: {  	s6 =	sld [smem:$0x3FB4]  }
0x2c: {  	s7 =	sld [smem:$0x3FB5]  }
0x2d: {  	s3 =	simm.s32 $0x108;
	s8 =	sld [smem:$0x3FB6]  }
0x2e: {  	s3 =	simm.s32 @!p0 $0x1082;
	s9 =	sld [smem:$0x3FB7]  }
0x2f: {  	lr =	sadd.s32 s0, s3;
	s0 =	sld [smem:$0x3FAE]  }
0x30: {  	s3 =	sld [smem:$0x3FB1]  }
0x31: {  	[smem:$0x3FBA] =	sst s10  }
0x32: {  	s10 =	sld [smem:$0x3FB8];
	_ =	sdelay $0x3  }
0x33: {  	p0 =	seq.s32 s10, $0x1;
	s10 =	sld [smem:$0x3FBA];
	_ =	sdelay $0x3  }
0x34: {  	[smem:$0x3FBA] =	sst s10  }
0x35: {  	s10 =	sld [smem:$0x3FB9];
	_ =	sdelay $0x3  }
0x36: {  	p1 =	seq.s32 s10, $0x1;
	s10 =	sld [smem:$0x3FBA];
	_ =	sdelay $0x3  }
0x37: {  	[smem:$0x3FBA] =	sst s10  }
0x38: {  	s10 =	sld [smem:$0x3FBB]  }
0x39: {  	_ = 	snop;
	(pc) =	sbr.ind lr, $3  }
0x3a: {  	_ = 	snop  }
0x3b: {  	_ = 	snop  }
0x3c: {  	p2 =	seq.s32 s10, $0x1;
	s10 =	sld [smem:$0x3FBA]  }
0x3d: {  	_ =	shalt  }
0x3e: {  	_ =	shalt  }
0x3f: {  	_ =	shalt  }
0x40: {  	_ =	shalt  }
0x41: {  	_ =	shalt  }
0x42: {  	_ =	shalt  }
0x43: {  	_ =	shalt  }
0x44: {  	_ =	shalt  }
0x45: {  	_ =	shalt  }
0x46: {  	_ =	shalt  }
0x47: {  	_ =	shalt  }
0x48: {  	_ =	shalt  }
0x49: {  	_ =	shalt  }
0x4a: {  	_ =	shalt  }
0x4b: {  	_ =	shalt  }
0x4c: {  	_ =	shalt  }
0x4d: {  	_ =	shalt  }
0x4e: {  	_ =	shalt  }
0x4f: {  	_ =	shalt  }
0x50: {  	_ =	shalt  }
0x51: {  	_ =	shalt  }
0x52: {  	_ =	shalt  }
0x53: {  	_ =	shalt  }
0x54: {  	_ =	shalt  }
0x55: {  	_ =	shalt  }
0x56: {  	_ =	shalt  }
0x57: {  	_ =	shalt  }
0x58: {  	_ =	shalt  }
0x59: {  	_ =	shalt  }
0x5a: {  	_ =	shalt  }
0x5b: {  	_ =	shalt  }
0x5c: {  	_ =	shalt  }
0x5d: {  	_ =	shalt  }
0x5e: {  	_ =	shalt  }
0x5f: {  	_ =	shalt  }
0x60: {  	_ =	shalt  }
0x61: {  	_ =	shalt  }
0x62: {  	_ =	shalt  }
0x63: {  	_ =	shalt  }
0x64: {  	_ =	shalt  }
0x65: {  	_ =	shalt  }
0x66: {  	_ =	shalt  }
0x67: {  	_ =	shalt  }
0x68: {  	_ =	shalt  }
0x69: {  	_ =	shalt  }
0x6a: {  	_ =	shalt  }
0x6b: {  	_ =	shalt  }
0x6c: {  	_ =	shalt  }
0x6d: {  	_ =	shalt  }
0x6e: {  	_ =	shalt  }
0x6f: {  	_ =	shalt  }
0x70: {  	_ =	shalt  }
0x71: {  	_ =	shalt  }
0x72: {  	_ =	shalt  }
0x73: {  	_ =	shalt  }
0x74: {  	_ =	shalt  }
0x75: {  	_ =	shalt  }
0x76: {  	_ =	shalt  }
0x77: {  	_ =	shalt  }
0x78: {  	_ =	shalt  }
0x79: {  	_ =	shalt  }
0x7a: {  	_ =	shalt  }
0x7b: {  	_ =	shalt  }
0x7c: {  	_ =	shalt  }
0x7d: {  	_ =	shalt  }
0x7e: {  	_ =	shalt  }
0x7f: {  	_ =	shalt  }
0x80: {  	_ =	shalt  }
0x81: {  	_ =	shalt  }
0x82: {  	_ =	shalt  }
0x83: {  	_ =	shalt  }
0x84: {  	_ =	shalt  }
0x85: {  	_ =	shalt  }
0x86: {  	_ =	shalt  }
0x87: {  	_ =	shalt  }
.Lfunc_end0:
.L_simem_size_0:
called_computation_lowered:
.L_overlay_start_0:
0x88: {  	s2 =	sld [smem:$0x3FD9]  }
0x89: {  	s3 =	sld [smem:$0x3FFE];
	_ =	sdelay $0x1  }
0x8a: {  	s1 =	srdreg.scid  }
0x8b: {  	s0 =	sand.u32 $0x1, s1  }
0x8c: {  	s18 =	sshll.u32 s0, $0xA;
	s2 =	sadd.s32 s3, s2  }
0x8d: {  	s2 =	sadd.s32 s2, s18  }
0x8e: {  	[smem:$0x3FC6] =	sst s2  }
0x8f: {  	_ = 	snop  }
0x90: {  	s2 =	sld [smem:$0x3FC9]  }
0x91: {  	s19 =	sld [smem:$0x3FC8]  }
0x92: {  	s4 =	sld [smem:$0x3FD0];
	(tm) =	ssettm $0x1  }
0x93: {  	s5 =	sld [smem:$0x3FFB];
	_ =	sdelay $0x3  }
0x94: {  	_ =	strace s5  }
0x95: {  	s5 =	sld [smem:$0x3FFC];
	_ =	sdelay $0x3  }
0x96: {  	_ =	strace s5  }
0x97: {  	s5 =	sld [smem:$0x3FFD];
	_ =	sdelay $0x3  }
0x98: {  	_ =	strace s5  }
0x99: {  	_ =	strace $0x8FFFFFFF  }
0x9a: {  	s20 =	sld [smem:$0x3FDB];
	_ =	sdelay $0x1  }
0x9b: {  	s6 =	simm.s32 $_scs_section_size  }
0x9c: {  	s7 =	simm.s32 $_size__tile_overlayer_lowered;
	s8 =	simm.s32 $_tile_overlayer_lowered  }
0x9d: {  	s23 =	simm.s32 $0x1BFF;
	s22 =	sshll.u32 s8, $0x1;
	s5 =	sadd.s32 s6, s20  }
0x9e: {  	s9 =	simm.s32 $0x0;
	s21 =	sshll.u32 s7, $0x1;
	s7 =	sadd.s32 s22, s5  }
0x9f: {  	[timem:s9], [sflag:s23] =	dma.local [hbm:s7], s21  }
0xa0: {  	_ =	swait.ge [sflag:s23], s21  }
0xa1: {  	s6 =	ssub.s32 $0x0, s21;
	[sflag:s23] =	ssyncset.done $0x0  }
0xa2: {  	[sflag:s23] =	ssyncadd.s32 s6;
	_ =	sdelay $0x1  }
0xa3: {  	s24 =	simm.s32 $0x1B8B  }
0xa4: {  	_ =	swait.ge [sflag:s24], $0x1  }
0xa5: {  	[sflag:s24] =	ssyncset.done $0x0  }
0xa6: {  	s25 =	simm.s32 $0x1B8E;
	[sflag:s24] =	ssyncadd.s32 $0xFFFFFFFF  }
0xa7: {  	s26 =	simm.s32 $execute0_lowered;
	[smem:$0x3FD2] =	sst s25  }
0xa8: {  	s6 =	sshll.u32 s26, $0x1;
	_ =	strace $0x80000046;
	[dreg:$0x1] =	wrdreg $0xFFFFFFFF  }
0xa9: {  	s28 =	simm.s32 $_size_execute0_lowered;
	s5 =	sadd.s32 s5, s6;
	[dreg:$0x0] =	wrdreg $0x0  }
0xaa: {  	s6 =	sshll.u32 s28, $0x1;
	[dreg:$0x2] =	wrdreg s5  }
0xab: {  	[dreg:$0x3] =	wrdreg s6  }
0xac: {  	[dreg:$0x4] =	wrdreg $0xC0  }
0xad: {  	_ =	task [dreg:s9], $0x5FFFF  }
0xae: {  	[dreg:$0x1] =	wrdreg $0xFFFFFFFF  }
0xaf: {  	[dreg:$0x0] =	wrdreg $0x60  }
0xb0: {  	[dreg:$0x2] =	wrdreg s2  }
0xb1: {  	[dreg:$0x3] =	wrdreg s19  }
0xb2: {  	[dreg:$0x4] =	wrdreg s4  }
0xb3: {  	[dreg:$0x5] =	wrdreg $0x9  }
0xb4: {  	_ =	task.clear_ibuf [dreg:s9], $0x6FFFF;
	_ =	strace $0x90000046  }
0xb5: {  	s29 =	simm.s32 $0x9;
	_ =	strace $0x80000048  }
0xb6: {  	_ =	swait.ge [sflag:s29], $0x1  }
0xb7: {  	[sflag:s29] =	ssyncadd.s32 $0xFFFFFFFF  }
0xb8: {  	_ =	strace $0x90000048  }
0xb9: {  	_ =	sfence  }
0xba: {  	s30 =	sld [smem:$0x0];
	_ =	sdelay $0x2  }
0xbb: {  	s31 =	sshll.u32 s1, $0xD;
	s1 =	sshrl.u32 s1, $0x2  }
0xbc: {  	s3 =	sand.u32 $0x4000, s31;
	s1 =	sadd.s32 s1, s30  }
0xbd: {  	s0 =	sor.u32 s3, s0;
	s1 =	sshll.u32 s1, $0x11  }
0xbe: {  	s0 =	sor.u32 s1, s0  }
0xbf: {  	s0 =	sadd.s32 $0x8F2B, s0  }
0xc0: {  	[sflag:s0] =	ssyncadd.remote.s32 $0x1  }
0xc1: {  	_ =	sfence.sel $0xFFFF  }
0xc2: {  	[dreg:$0x0] =	wrdreg $0xFFFFFFFF;
	(pc) =	sbr.abs _section_cstart, $3  }
0xc3: {  	[dreg:$0x1] =	wrdreg $0xFFFFFFFF  }
0xc4: {  	_ =	task.clear_ibuf [dreg:s9], $0x2FFFF;
	_ =	strace $0x9FFFFFFF  }
0xc5: {  	(tm) =	ssettm $0x7FFFFFFF  }
tec
execute0_lowered:
.L_overlay_start_1:
0x0: {  	(tag) =	ssettag $0x1  }
0x1: {  	s0 =	rddreg [dreg:$0x0]  }
0x2: {  	s1 =	srdreg.scid;
	s2 =	rddreg [dreg:$0x1]  }
0x3: {  	s3 =	stileid.u32;
	s4 =	rddreg [dreg:$0x2];
	s20 =	simm.s32 $0x80  }
0x4: {  	s19 =	simm.s32 $0xF200;
	s28 =	simm.s32 $0x2;
	s29 =	simm.s32 $0x5  }
0x5: {  	s30 =	simm.s32 $0x3;
	s1 =	sand.u32 $0x1, s1;
	s3 =	sshll.u32 s3, $0x1  }
0x6: {  	s31 =	simm.s32 $0x6;
	s11 =	sadd.s32 $0x300, s2;
	s5 =	sor.u32 s1, s3  }
0x7: {  	s3 =	simm.s32 $0x0;
	s7 =	sshll.u32 s1, $0x6;
	s1 =	ssub.s32 $0x2, s1  }
0x8: {  	s6 =	sshll.u32 s5, $0x8;
	[smem:$0x7FF] =	sst s3;
	s9 =	sshrl.u32 s1, $0x1  }
0x9: {  	s25 =	sshll.u32 s5, $0xF;
	s8 =	sand.u32 $0x1E00, s6;
	_ =	strace $0x80000047  }
0xa: {  	s6 =	sor.u32 s7, s6;
	s1 =	ssub.s32 s1, s9;
	s9 =	sadd.s32 $0x200, s2  }
0xb: {  	s10 =	sadd.s32 s4, s25;
	s4 =	simm.s32 $0xFA00;
	s25 =	simm.s32 $0x1000  }
0xc: {  	s8 =	sor.u32 s7, s8;
	s6 =	sshrl.u32 s6, $0x3;
	s12 =	sadd.s32 $0x4000, s10  }
0xd: {  	s13 =	sadd.s32 $0x10, s10;
	s14 =	sadd.s32 $0x4010, s10;
	s15 =	sadd.s32 $0x20, s10  }
0xe: {  	s16 =	sadd.s32 $0x4020, s10;
	s17 =	sadd.s32 $0x30, s10;
	s18 =	sadd.s32 $0x4030, s10  }
0xf: {  	s26 =	smax.u32 s1, $0x1;
	s1 =	simm.s32 $0x0;
	s8 =	sshrl.u32 s8, $0x3  }
0x10: {  	s24 =	sor.u32 $0x20, s6;
	[dreg:$0x8] =	wrdreg s26;
	s23 =	sadd.s32 s0, s8  }
0x11: {  	s6 =	sor.u32 $0x30, s6;
	[dreg:$0x4] =	wrdreg s23;
	s7 =	sadd.s32 $0x10, s23  }
0x12: {  	v2 =	vlaneseq.u32;
	s26 =	simm.s32 $0x4;
	[dreg:$0x5] =	wrdreg s7;
	s7 =	sadd.s32 s0, s24  }
0x13: {  	vm0 =	vmmov $0xffff;
	v1 =	vshrl.u32 v2, $0x3;
	s8 =	sadd.s32 $0x100, s2;
	s0 =	sadd.s32 s0, s6;
	[dreg:$0x6] =	wrdreg s7  }
0x14: {  	v0 =	vand.u32 $0x7, v2;
	v2 =	vor.u32 $0x8, v2;
	v1 =	vmul.u32 $0x8, v1;
	s23 =	simm.s32 $0x7;
	s24 =	simm.s32 $0x1;
	[dreg:$0x7] =	wrdreg s0  }
.LBB2_1:
0x15: {  	s0 =	rddreg [dreg:$0x4]  }
0x16: {  	[tilespmem:s3], [sflag:$0x7] =	stream.linear.gather [hbm4b:s0+s3], $0x40, $0x38;
	[tilespmem:$0x18200] =	vst v63  }
0x17: {  	s5 =	rddreg [dreg:$0x5]  }
0x18: {  	[tilespmem:s20], [sflag:$0x7] =	stream.linear.gather [hbm4b:s5+s3], $0x40, $0x38;
	[tilespmem:$0x18200] =	vst v63  }
0x19: {  	s6 =	rddreg [dreg:$0x6];
	s5 =	simm.s32 $0x100  }
0x1a: {  	[tilespmem:s5], [sflag:$0x7] =	stream.linear.gather [hbm4b:s6+s3], $0x40, $0x38;
	[tilespmem:$0x18200] =	vst v63  }
0x1b: {  	s7 =	rddreg [dreg:$0x7];
	s21 =	simm.s32 $0x180  }
0x1c: {  	[tilespmem:s21], [sflag:$0x7] =	stream.linear.gather [hbm4b:s7+s3], $0x40, $0x38;
	[tilespmem:$0x18200] =	vst v63  }
0x1d: {  	_ =	swait.ge [sflag:s23], $0x40  }
0x1e: {  	[sflag:s23] =	ssyncset.done $0x0  }
0x1f: {  	[sflag:s23] =	ssyncadd.s32 $0xFFFFFFC0  }
0x20: {  	v3 =	vld [tilespmem:$0x0];
	_ =	sdelay $0x4  }
0x21: {  	v4 =	vshll.u32 v3, $0x3  }
0x22: {  	v3 =	vand.u32 $0x7, v3;
	v4 =	vand.u32 $0xFFFFFFC0, v4  }
0x23: {  	v3 =	vor.u32 v3, v4  }
0x24: {  	v4 =	vperm.xlane v3, v0;
	_ =	sdelay $0x1  }
0x25: {  	v4 =	vadd.s32 v1, v4;
	_ =	sdelay $0x3  }
0x26: {  	s22 =	simm.s32 $0x200  }
0x27: {  	[tilespmem:s22], [sflag:$0x1] =	stream.indirect_vreg.gather [hbm4b:s2+s3], $0x80, v4, vm0, $0xb8;
	[tilespmem:$0x18200] =	vst v63  }
0x28: {  	s5 =	simm.s32 $0xA00;
	v3 =	vperm.xlane v3, v2  }
0x29: {  	[tilespmem:s5], [sflag:$0x1] =	stream.indirect_vreg.gather [hbm4b:s8+s3], $0x80, v4, vm0, $0xb8;
	[tilespmem:$0x18200] =	vst v63  }
0x2a: {  	s6 =	simm.s32 $0x1200;
	v3 =	vadd.s32 v1, v3  }
0x2b: {  	[tilespmem:s6], [sflag:$0x1] =	stream.indirect_vreg.gather [hbm4b:s9+s3], $0x80, v4, vm0, $0xb8;
	[tilespmem:$0x18200] =	vst v63  }
0x2c: {  	s7 =	simm.s32 $0x1A00  }
0x2d: {  	[tilespmem:s7], [sflag:$0x1] =	stream.indirect_vreg.gather [hbm4b:s11+s3], $0x80, v4, vm0, $0xb8;
	[tilespmem:$0x18200] =	vst v63  }
0x2e: {  	s21 =	simm.s32 $0x2200  }
0x2f: {  	[tilespmem:s21], [sflag:$0x1] =	stream.indirect_vreg.gather [hbm4b:s2+s3], $0x80, v3, vm0, $0xb8;
	[tilespmem:$0x18200] =	vst v63  }
0x30: {  	s22 =	simm.s32 $0x2A00  }
0x31: {  	[tilespmem:s22], [sflag:$0x1] =	stream.indirect_vreg.gather [hbm4b:s8+s3], $0x80, v3, vm0, $0xb8;
	[tilespmem:$0x18200] =	vst v63  }
0x32: {  	s5 =	simm.s32 $0x3200  }
0x33: {  	[tilespmem:s5], [sflag:$0x1] =	stream.indirect_vreg.gather [hbm4b:s9+s3], $0x80, v3, vm0, $0xb8;
	[tilespmem:$0x18200] =	vst v63  }
0x34: {  	s6 =	simm.s32 $0x3A00  }
0x35: {  	[tilespmem:s6], [sflag:$0x1] =	stream.indirect_vreg.gather [hbm4b:s11+s3], $0x80, v3, vm0, $0xb8;
	[tilespmem:$0x18200] =	vst v63  }
0x36: {  	v3 =	vld [tilespmem:$0x10];
	_ =	sdelay $0x4  }
0x37: {  	v59 =	vshll.u32 v3, $0x3  }
0x38: {  	v3 =	vand.u32 $0x7, v3;
	v4 =	vand.u32 $0xFFFFFFC0, v59  }
0x39: {  	v3 =	vor.u32 v3, v4  }
0x3a: {  	v4 =	vperm.xlane v3, v0;
	_ =	sdelay $0x1  }
0x3b: {  	v4 =	vadd.s32 v1, v4;
	_ =	sdelay $0x3  }
0x3c: {  	s7 =	simm.s32 $0x4200  }
0x3d: {  	[tilespmem:s7], [sflag:$0x1] =	stream.indirect_vreg.gather [hbm4b:s2+s3], $0x80, v4, vm0, $0xb8;
	[tilespmem:$0x18200] =	vst v63  }
0x3e: {  	s21 =	simm.s32 $0x4A00;
	v3 =	vperm.xlane v3, v2  }
0x3f: {  	[tilespmem:s21], [sflag:$0x1] =	stream.indirect_vreg.gather [hbm4b:s8+s3], $0x80, v4, vm0, $0xb8;
	[tilespmem:$0x18200] =	vst v63  }
0x40: {  	s22 =	simm.s32 $0x5200;
	v3 =	vadd.s32 v1, v3  }
0x41: {  	[tilespmem:s22], [sflag:$0x1] =	stream.indirect_vreg.gather [hbm4b:s9+s3], $0x80, v4, vm0, $0xb8;
	[tilespmem:$0x18200] =	vst v63  }
0x42: {  	s5 =	simm.s32 $0x5A00  }
0x43: {  	[tilespmem:s5], [sflag:$0x1] =	stream.indirect_vreg.gather [hbm4b:s11+s3], $0x80, v4, vm0, $0xb8;
	[tilespmem:$0x18200] =	vst v63  }
0x44: {  	s6 =	simm.s32 $0x6200  }
0x45: {  	[tilespmem:s6], [sflag:$0x1] =	stream.indirect_vreg.gather [hbm4b:s2+s3], $0x80, v3, vm0, $0xb8;
	[tilespmem:$0x18200] =	vst v63  }
0x46: {  	s7 =	simm.s32 $0x6A00  }
0x47: {  	[tilespmem:s7], [sflag:$0x1] =	stream.indirect_vreg.gather [hbm4b:s8+s3], $0x80, v3, vm0, $0xb8;
	[tilespmem:$0x18200] =	vst v63  }
0x48: {  	s21 =	simm.s32 $0x7200  }
0x49: {  	[tilespmem:s21], [sflag:$0x1] =	stream.indirect_vreg.gather [hbm4b:s9+s3], $0x80, v3, vm0, $0xb8;
	[tilespmem:$0x18200] =	vst v63  }
0x4a: {  	s22 =	simm.s32 $0x7A00  }
0x4b: {  	[tilespmem:s22], [sflag:$0x1] =	stream.indirect_vreg.gather [hbm4b:s11+s3], $0x80, v3, vm0, $0xb8;
	[tilespmem:$0x18200] =	vst v63  }
0x4c: {  	v3 =	vld [tilespmem:$0x20];
	_ =	sdelay $0x4  }
0x4d: {  	v60 =	vshll.u32 v3, $0x3  }
0x4e: {  	v3 =	vand.u32 $0x7, v3;
	v4 =	vand.u32 $0xFFFFFFC0, v60  }
0x4f: {  	v3 =	vor.u32 v3, v4  }
0x50: {  	v4 =	vperm.xlane v3, v0;
	_ =	sdelay $0x1  }
0x51: {  	v4 =	vadd.s32 v1, v4;
	_ =	sdelay $0x3  }
0x52: {  	s5 =	simm.s32 $0x8200  }
0x53: {  	[tilespmem:s5], [sflag:$0x2] =	stream.indirect_vreg.gather [hbm4b:s2+s3], $0x80, v4, vm0, $0xb8;
	[tilespmem:$0x18200] =	vst v63  }
0x54: {  	s6 =	simm.s32 $0x8A00;
	v3 =	vperm.xlane v3, v2  }
0x55: {  	[tilespmem:s6], [sflag:$0x2] =	stream.indirect_vreg.gather [hbm4b:s8+s3], $0x80, v4, vm0, $0xb8;
	[tilespmem:$0x18200] =	vst v63  }
0x56: {  	s7 =	simm.s32 $0x9200;
	v3 =	vadd.s32 v1, v3  }
0x57: {  	[tilespmem:s7], [sflag:$0x2] =	stream.indirect_vreg.gather [hbm4b:s9+s3], $0x80, v4, vm0, $0xb8;
	[tilespmem:$0x18200] =	vst v63  }
0x58: {  	s21 =	simm.s32 $0x9A00  }
0x59: {  	[tilespmem:s21], [sflag:$0x2] =	stream.indirect_vreg.gather [hbm4b:s11+s3], $0x80, v4, vm0, $0xb8;
	[tilespmem:$0x18200] =	vst v63  }
0x5a: {  	s22 =	simm.s32 $0xA200  }
0x5b: {  	[tilespmem:s22], [sflag:$0x2] =	stream.indirect_vreg.gather [hbm4b:s2+s3], $0x80, v3, vm0, $0xb8;
	[tilespmem:$0x18200] =	vst v63  }
0x5c: {  	s5 =	simm.s32 $0xAA00  }
0x5d: {  	[tilespmem:s5], [sflag:$0x2] =	stream.indirect_vreg.gather [hbm4b:s8+s3], $0x80, v3, vm0, $0xb8;
	[tilespmem:$0x18200] =	vst v63  }
0x5e: {  	s6 =	simm.s32 $0xB200  }
0x5f: {  	[tilespmem:s6], [sflag:$0x2] =	stream.indirect_vreg.gather [hbm4b:s9+s3], $0x80, v3, vm0, $0xb8;
	[tilespmem:$0x18200] =	vst v63  }
0x60: {  	s7 =	simm.s32 $0xBA00  }
0x61: {  	[tilespmem:s7], [sflag:$0x2] =	stream.indirect_vreg.gather [hbm4b:s11+s3], $0x80, v3, vm0, $0xb8;
	[tilespmem:$0x18200] =	vst v63  }
0x62: {  	v3 =	vld [tilespmem:$0x30];
	_ =	sdelay $0x4  }
0x63: {  	v61 =	vshll.u32 v3, $0x3  }
0x64: {  	v3 =	vand.u32 $0x7, v3;
	v4 =	vand.u32 $0xFFFFFFC0, v61  }
0x65: {  	v3 =	vor.u32 v3, v4  }
0x66: {  	v4 =	vperm.xlane v3, v0;
	_ =	sdelay $0x1  }
0x67: {  	v4 =	vadd.s32 v1, v4;
	_ =	sdelay $0x3  }
0x68: {  	s21 =	simm.s32 $0xC200  }
0x69: {  	[tilespmem:s21], [sflag:$0x2] =	stream.indirect_vreg.gather [hbm4b:s2+s3], $0x80, v4, vm0, $0xb8;
	[tilespmem:$0x18200] =	vst v63  }
0x6a: {  	s22 =	simm.s32 $0xCA00;
	v3 =	vperm.xlane v3, v2  }
0x6b: {  	[tilespmem:s22], [sflag:$0x2] =	stream.indirect_vreg.gather [hbm4b:s8+s3], $0x80, v4, vm0, $0xb8;
	[tilespmem:$0x18200] =	vst v63  }
0x6c: {  	s5 =	simm.s32 $0xD200;
	v3 =	vadd.s32 v1, v3  }
0x6d: {  	[tilespmem:s5], [sflag:$0x2] =	stream.indirect_vreg.gather [hbm4b:s9+s3], $0x80, v4, vm0, $0xb8;
	[tilespmem:$0x18200] =	vst v63  }
0x6e: {  	s6 =	simm.s32 $0xDA00  }
0x6f: {  	[tilespmem:s6], [sflag:$0x2] =	stream.indirect_vreg.gather [hbm4b:s11+s3], $0x80, v4, vm0, $0xb8;
	[tilespmem:$0x18200] =	vst v63  }
0x70: {  	s7 =	simm.s32 $0xE200  }
0x71: {  	[tilespmem:s7], [sflag:$0x2] =	stream.indirect_vreg.gather [hbm4b:s2+s3], $0x80, v3, vm0, $0xb8;
	[tilespmem:$0x18200] =	vst v63  }
0x72: {  	s21 =	simm.s32 $0xEA00  }
0x73: {  	[tilespmem:s21], [sflag:$0x2] =	stream.indirect_vreg.gather [hbm4b:s8+s3], $0x80, v3, vm0, $0xb8;
	[tilespmem:$0x18200] =	vst v63  }
0x74: {  	_ = 	snop  }
0x75: {  	[tilespmem:s19], [sflag:$0x2] =	stream.indirect_vreg.gather [hbm4b:s9+s3], $0x80, v3, vm0, $0xb8;
	[tilespmem:$0x18200] =	vst v63  }
0x76: {  	_ = 	snop  }
0x77: {  	[tilespmem:s4], [sflag:$0x2] =	stream.indirect_vreg.gather [hbm4b:s11+s3], $0x80, v3, vm0, $0xb8;
	[tilespmem:$0x18200] =	vst v63  }
0x78: {  	_ =	swait.ge [sflag:s23], $0x40  }
0x79: {  	[sflag:s23] =	ssyncset.done $0x0  }
0x7a: {  	[sflag:s23] =	ssyncadd.s32 $0xFFFFFFC0  }
0x7b: {  	v3 =	vld [tilespmem:$0x80];
	_ =	sdelay $0x4  }
0x7c: {  	v62 =	vshll.u32 v3, $0x3  }
0x7d: {  	v3 =	vand.u32 $0x7, v3;
	v4 =	vand.u32 $0xFFFFFFC0, v62  }
0x7e: {  	v3 =	vor.u32 v3, v4  }
0x7f: {  	v4 =	vperm.xlane v3, v0;
	_ =	sdelay $0x1  }
0x80: {  	v4 =	vadd.s32 v1, v4;
	_ =	sdelay $0x3  }
0x81: {  	s22 =	simm.s32 $0x10200  }
0x82: {  	[tilespmem:s22], [sflag:$0x3] =	stream.indirect_vreg.gather [hbm4b:s2+s3], $0x80, v4, vm0, $0xb8;
	[tilespmem:$0x18200] =	vst v63  }
0x83: {  	s5 =	simm.s32 $0x10A00;
	v3 =	vperm.xlane v3, v2  }
0x84: {  	[tilespmem:s5], [sflag:$0x3] =	stream.indirect_vreg.gather [hbm4b:s8+s3], $0x80, v4, vm0, $0xb8;
	[tilespmem:$0x18200] =	vst v63  }
0x85: {  	s6 =	simm.s32 $0x11200;
	v3 =	vadd.s32 v1, v3  }
0x86: {  	[tilespmem:s6], [sflag:$0x3] =	stream.indirect_vreg.gather [hbm4b:s9+s3], $0x80, v4, vm0, $0xb8;
	[tilespmem:$0x18200] =	vst v63  }
0x87: {  	s7 =	simm.s32 $0x11A00  }
0x88: {  	[tilespmem:s7], [sflag:$0x3] =	stream.indirect_vreg.gather [hbm4b:s11+s3], $0x80, v4, vm0, $0xb8;
	[tilespmem:$0x18200] =	vst v63  }
0x89: {  	s21 =	simm.s32 $0x12200  }
0x8a: {  	[tilespmem:s21], [sflag:$0x3] =	stream.indirect_vreg.gather [hbm4b:s2+s3], $0x80, v3, vm0, $0xb8;
	[tilespmem:$0x18200] =	vst v63  }
0x8b: {  	s22 =	simm.s32 $0x12A00  }
0x8c: {  	[tilespmem:s22], [sflag:$0x3] =	stream.indirect_vreg.gather [hbm4b:s8+s3], $0x80, v3, vm0, $0xb8;
	[tilespmem:$0x18200] =	vst v63  }
0x8d: {  	s5 =	simm.s32 $0x13200  }
0x8e: {  	[tilespmem:s5], [sflag:$0x3] =	stream.indirect_vreg.gather [hbm4b:s9+s3], $0x80, v3, vm0, $0xb8;
	[tilespmem:$0x18200] =	vst v63  }
0x8f: {  	s6 =	simm.s32 $0x13A00  }
0x90: {  	[tilespmem:s6], [sflag:$0x3] =	stream.indirect_vreg.gather [hbm4b:s11+s3], $0x80, v3, vm0, $0xb8;
	[tilespmem:$0x18200] =	vst v63  }
0x91: {  	v3 =	vld [tilespmem:$0x90];
	_ =	sdelay $0x4  }
0x92: {  	v63 =	vshll.u32 v3, $0x3  }
0x93: {  	v3 =	vand.u32 $0x7, v3;
	v4 =	vand.u32 $0xFFFFFFC0, v63  }
0x94: {  	v3 =	vor.u32 v3, v4  }
0x95: {  	v4 =	vperm.xlane v3, v0;
	_ =	sdelay $0x1  }
0x96: {  	v4 =	vadd.s32 v1, v4;
	_ =	sdelay $0x3  }
0x97: {  	s7 =	simm.s32 $0x14200  }
0x98: {  	[tilespmem:s7], [sflag:$0x3] =	stream.indirect_vreg.gather [hbm4b:s2+s3], $0x80, v4, vm0, $0xb8;
	[tilespmem:$0x18200] =	vst v63  }
0x99: {  	s21 =	simm.s32 $0x14A00;
	v3 =	vperm.xlane v3, v2  }
0x9a: {  	[tilespmem:s21], [sflag:$0x3] =	stream.indirect_vreg.gather [hbm4b:s8+s3], $0x80, v4, vm0, $0xb8;
	[tilespmem:$0x18200] =	vst v63  }
0x9b: {  	s22 =	simm.s32 $0x15200;
	v3 =	vadd.s32 v1, v3  }
0x9c: {  	[tilespmem:s22], [sflag:$0x3] =	stream.indirect_vreg.gather [hbm4b:s9+s3], $0x80, v4, vm0, $0xb8;
	[tilespmem:$0x18200] =	vst v63  }
0x9d: {  	s5 =	simm.s32 $0x15A00  }
0x9e: {  	[tilespmem:s5], [sflag:$0x3] =	stream.indirect_vreg.gather [hbm4b:s11+s3], $0x80, v4, vm0, $0xb8;
	[tilespmem:$0x18200] =	vst v63  }
0x9f: {  	s6 =	simm.s32 $0x16200  }
0xa0: {  	[tilespmem:s6], [sflag:$0x3] =	stream.indirect_vreg.gather [hbm4b:s2+s3], $0x80, v3, vm0, $0xb8;
	[tilespmem:$0x18200] =	vst v63  }
0xa1: {  	s7 =	simm.s32 $0x16A00  }
0xa2: {  	[tilespmem:s7], [sflag:$0x3] =	stream.indirect_vreg.gather [hbm4b:s8+s3], $0x80, v3, vm0, $0xb8;
	[tilespmem:$0x18200] =	vst v63  }
0xa3: {  	s21 =	simm.s32 $0x17200  }
0xa4: {  	[tilespmem:s21], [sflag:$0x3] =	stream.indirect_vreg.gather [hbm4b:s9+s3], $0x80, v3, vm0, $0xb8;
	[tilespmem:$0x18200] =	vst v63  }
0xa5: {  	s22 =	simm.s32 $0x17A00  }
0xa6: {  	[tilespmem:s22], [sflag:$0x3] =	stream.indirect_vreg.gather [hbm4b:s11+s3], $0x80, v3, vm0, $0xb8;
	[tilespmem:$0x18200] =	vst v63  }
0xa7: {  	_ =	swait.ge [sflag:s24], $0x8000  }
0xa8: {  	[sflag:s24] =	ssyncset.done $0x0  }
0xa9: {  	s5 =	simm.s32 $0x200;
	[sflag:s24] =	ssyncadd.s32 $0xFFFF8000  }
0xaa: {  	[hbm4b:s10+s20] =	stream.strided.scatter [tilespmem:s5], [sflag:$0x4], $0x400, s25, s20, $0x38;
	[tilespmem:$0x18200] =	vst v63  }
0xab: {  	s6 =	simm.s32 $0x600;
	s7 =	sadd.s32 $0x40, s10  }
0xac: {  	[hbm4b:s7+s20] =	stream.strided.scatter [tilespmem:s6], [sflag:$0x4], $0x400, s25, s20, $0x38;
	[tilespmem:$0x18200] =	vst v63  }
0xad: {  	s21 =	simm.s32 $0xA00;
	s22 =	sadd.s32 $0x80, s10  }
0xae: {  	[hbm4b:s22+s20] =	stream.strided.scatter [tilespmem:s21], [sflag:$0x4], $0x400, s25, s20, $0x38;
	[tilespmem:$0x18200] =	vst v63  }
0xaf: {  	s6 =	simm.s32 $0xE00;
	s7 =	sadd.s32 $0xC0, s10  }
0xb0: {  	[hbm4b:s7+s20] =	stream.strided.scatter [tilespmem:s6], [sflag:$0x4], $0x400, s25, s20, $0x38;
	[tilespmem:$0x18200] =	vst v63  }
0xb1: {  	s21 =	simm.s32 $0x1200;
	s22 =	sadd.s32 $0x100, s10  }
0xb2: {  	[hbm4b:s22+s20] =	stream.strided.scatter [tilespmem:s21], [sflag:$0x4], $0x400, s25, s20, $0x38;
	[tilespmem:$0x18200] =	vst v63  }
0xb3: {  	s0 =	simm.s32 $0x2000;
	s6 =	simm.s32 $0x1600;
	s7 =	sadd.s32 $0x140, s10  }
0xb4: {  	[hbm4b:s7+s20] =	stream.strided.scatter [tilespmem:s6], [sflag:$0x4], $0x400, s25, s20, $0x38;
	[tilespmem:$0x18200] =	vst v63  }
0xb5: {  	s5 =	simm.s32 $0x1E00;
	s21 =	simm.s32 $0x1A00;
	s22 =	sadd.s32 $0x180, s10  }
0xb6: {  	[hbm4b:s22+s20] =	stream.strided.scatter [tilespmem:s21], [sflag:$0x4], $0x400, s25, s20, $0x38;
	[tilespmem:$0x18200] =	vst v63  }
0xb7: {  	s6 =	sadd.s32 $0x1C0, s10;
	s22 =	simm.s32 $0x10000;
	s21 =	sadd.s32 $0x1000, s10  }
.LBB2_2:
0xb8: {  	[hbm4b:s6+s20] =	stream.strided.scatter [tilespmem:s5], [sflag:$0x4], $0x400, s25, s20, $0x38;
	[tilespmem:$0x18200] =	vst v63  }
0xb9: {  	s5 =	smov.u32 s0;
	s0 =	smov.u32 s22  }
0xba: {  	s7 =	sadd.s32 $0x8000, s22;
	s0 =	sshra.s32 s0, $0x2;
	s6 =	sadd.s32 $0x200, s5  }
0xbb: {  	[hbm4b:s21+s20] =	stream.strided.scatter [tilespmem:s6], [sflag:$0x4], $0x400, s25, s20, $0x38;
	[tilespmem:$0x18200] =	vst v63  }
0xbc: {  	p0 =	sne.s32 s22, $0x18000;
	s22 =	sadd.s32 $0x40, s21;
	s6 =	sadd.s32 $0x600, s5  }
0xbd: {  	[hbm4b:s22+s20] =	stream.strided.scatter [tilespmem:s6], [sflag:$0x4], $0x400, s25, s20, $0x38;
	[tilespmem:$0x18200] =	vst v63  }
0xbe: {  	s6 =	sadd.s32 $0xA00, s5;
	s22 =	sadd.s32 $0x80, s21  }
0xbf: {  	[hbm4b:s22+s20] =	stream.strided.scatter [tilespmem:s6], [sflag:$0x4], $0x400, s25, s20, $0x38;
	[tilespmem:$0x18200] =	vst v63  }
0xc0: {  	s6 =	sadd.s32 $0xE00, s5;
	s22 =	sadd.s32 $0xC0, s21  }
0xc1: {  	[hbm4b:s22+s20] =	stream.strided.scatter [tilespmem:s6], [sflag:$0x4], $0x400, s25, s20, $0x38;
	[tilespmem:$0x18200] =	vst v63  }
0xc2: {  	s6 =	sadd.s32 $0x1200, s5;
	s22 =	sadd.s32 $0x100, s21  }
0xc3: {  	[hbm4b:s22+s20] =	stream.strided.scatter [tilespmem:s6], [sflag:$0x4], $0x400, s25, s20, $0x38;
	[tilespmem:$0x18200] =	vst v63  }
.Ltmp0:
0xc4: {  	s6 =	sadd.s32 $0x1600, s5;
	s22 =	sadd.s32 $0x140, s21;
	(pc) =	sbr.rel @p0 .LBB2_2-.Ltmp0, $4  }
0xc5: {  	[hbm4b:s22+s20] =	stream.strided.scatter [tilespmem:s6], [sflag:$0x4], $0x400, s25, s20, $0x38;
	[tilespmem:$0x18200] =	vst v63  }
0xc6: {  	s6 =	sadd.s32 $0x1A00, s5;
	s22 =	sadd.s32 $0x180, s21;
	s5 =	sadd.s32 $0x1E00, s5  }
0xc7: {  	[hbm4b:s22+s20] =	stream.strided.scatter [tilespmem:s6], [sflag:$0x4], $0x400, s25, s20, $0x38;
	[tilespmem:$0x18200] =	vst v63  }
0xc8: {  	s6 =	sadd.s32 $0x1C0, s21;
	s21 =	sadd.s32 $0x1000, s21;
	s22 =	smov.u32 s7  }
0xc9: {  	[hbm4b:s6+s20] =	stream.strided.scatter [tilespmem:s5], [sflag:$0x4], $0x400, s25, s20, $0x38;
	[tilespmem:$0x18200] =	vst v63  }
0xca: {  	s6 =	sadd.s32 $0x200, s0  }
0xcb: {  	[hbm4b:s21+s20] =	stream.strided.scatter [tilespmem:s6], [sflag:$0x4], $0x400, s25, s20, $0x38;
	[tilespmem:$0x18200] =	vst v63  }
0xcc: {  	s7 =	sadd.s32 $0x600, s0;
	s22 =	sadd.s32 $0x40, s21  }
0xcd: {  	[hbm4b:s22+s20] =	stream.strided.scatter [tilespmem:s7], [sflag:$0x4], $0x400, s25, s20, $0x38;
	[tilespmem:$0x18200] =	vst v63  }
0xce: {  	s7 =	sadd.s32 $0xA00, s0;
	s22 =	sadd.s32 $0x80, s21  }
0xcf: {  	[hbm4b:s22+s20] =	stream.strided.scatter [tilespmem:s7], [sflag:$0x4], $0x400, s25, s20, $0x38;
	[tilespmem:$0x18200] =	vst v63  }
0xd0: {  	s7 =	sadd.s32 $0xE00, s0;
	s22 =	sadd.s32 $0xC0, s21  }
0xd1: {  	[hbm4b:s22+s20] =	stream.strided.scatter [tilespmem:s7], [sflag:$0x4], $0x400, s25, s20, $0x38;
	[tilespmem:$0x18200] =	vst v63  }
0xd2: {  	s7 =	sadd.s32 $0x1200, s0;
	s22 =	sadd.s32 $0x100, s21  }
0xd3: {  	[hbm4b:s22+s20] =	stream.strided.scatter [tilespmem:s7], [sflag:$0x4], $0x400, s25, s20, $0x38;
	[tilespmem:$0x18200] =	vst v63  }
0xd4: {  	s7 =	sadd.s32 $0x1600, s0;
	s22 =	sadd.s32 $0x140, s21  }
0xd5: {  	[hbm4b:s22+s20] =	stream.strided.scatter [tilespmem:s7], [sflag:$0x4], $0x400, s25, s20, $0x38;
	[tilespmem:$0x18200] =	vst v63  }
0xd6: {  	s7 =	sadd.s32 $0x1A00, s0;
	s22 =	sadd.s32 $0x180, s21  }
0xd7: {  	[hbm4b:s22+s20] =	stream.strided.scatter [tilespmem:s7], [sflag:$0x4], $0x400, s25, s20, $0x38;
	[tilespmem:$0x18200] =	vst v63  }
0xd8: {  	s7 =	sadd.s32 $0x1E00, s0;
	s22 =	sadd.s32 $0x1C0, s21  }
0xd9: {  	[hbm4b:s22+s20] =	stream.strided.scatter [tilespmem:s7], [sflag:$0x4], $0x400, s25, s20, $0x38;
	[tilespmem:$0x18200] =	vst v63  }
0xda: {  	_ =	swait.ge [sflag:s26], $0x8000  }
0xdb: {  	[sflag:s26] =	ssyncset.done $0x0  }
0xdc: {  	[sflag:s26] =	ssyncadd.s32 $0xFFFF8000  }
0xdd: {  	v3 =	vld [tilespmem:$0xA0];
	_ =	sdelay $0x4  }
0xde: {  	v4 =	vshll.u32 v3, $0x3  }
0xdf: {  	v3 =	vand.u32 $0x7, v3;
	v4 =	vand.u32 $0xFFFFFFC0, v4  }
0xe0: {  	v3 =	vor.u32 v3, v4  }
0xe1: {  	v4 =	vperm.xlane v3, v0;
	_ =	sdelay $0x1  }
0xe2: {  	v4 =	vadd.s32 v1, v4;
	_ =	sdelay $0x3  }
0xe3: {  	s6 =	simm.s32 $0x200;
	s0 =	simm.s32 $0x0  }
0xe4: {  	[tilespmem:s6], [sflag:$0x1] =	stream.indirect_vreg.gather [hbm4b:s2+s0], $0x80, v4, vm0, $0xb8;
	[tilespmem:$0x18200] =	vst v63  }
0xe5: {  	s7 =	simm.s32 $0xA00;
	v3 =	vperm.xlane v3, v2  }
0xe6: {  	[tilespmem:s7], [sflag:$0x1] =	stream.indirect_vreg.gather [hbm4b:s8+s0], $0x80, v4, vm0, $0xb8;
	[tilespmem:$0x18200] =	vst v63  }
0xe7: {  	s21 =	simm.s32 $0x1200;
	v3 =	vadd.s32 v1, v3  }
0xe8: {  	[tilespmem:s21], [sflag:$0x1] =	stream.indirect_vreg.gather [hbm4b:s9+s0], $0x80, v4, vm0, $0xb8;
	[tilespmem:$0x18200] =	vst v63  }
0xe9: {  	s22 =	simm.s32 $0x1A00  }
0xea: {  	[tilespmem:s22], [sflag:$0x1] =	stream.indirect_vreg.gather [hbm4b:s11+s0], $0x80, v4, vm0, $0xb8;
	[tilespmem:$0x18200] =	vst v63  }
0xeb: {  	s6 =	simm.s32 $0x2200  }
0xec: {  	[tilespmem:s6], [sflag:$0x1] =	stream.indirect_vreg.gather [hbm4b:s2+s0], $0x80, v3, vm0, $0xb8;
	[tilespmem:$0x18200] =	vst v63  }
0xed: {  	s7 =	simm.s32 $0x2A00  }
0xee: {  	[tilespmem:s7], [sflag:$0x1] =	stream.indirect_vreg.gather [hbm4b:s8+s0], $0x80, v3, vm0, $0xb8;
	[tilespmem:$0x18200] =	vst v63  }
0xef: {  	s21 =	simm.s32 $0x3200  }
0xf0: {  	[tilespmem:s21], [sflag:$0x1] =	stream.indirect_vreg.gather [hbm4b:s9+s0], $0x80, v3, vm0, $0xb8;
	[tilespmem:$0x18200] =	vst v63  }
0xf1: {  	s22 =	simm.s32 $0x3A00  }
0xf2: {  	[tilespmem:s22], [sflag:$0x1] =	stream.indirect_vreg.gather [hbm4b:s11+s0], $0x80, v3, vm0, $0xb8;
	[tilespmem:$0x18200] =	vst v63  }
0xf3: {  	v3 =	vld [tilespmem:$0xB0];
	_ =	sdelay $0x4  }
0xf4: {  	v63 =	vshll.u32 v3, $0x3  }
0xf5: {  	v3 =	vand.u32 $0x7, v3;
	v4 =	vand.u32 $0xFFFFFFC0, v63  }
0xf6: {  	v3 =	vor.u32 v3, v4  }
0xf7: {  	v4 =	vperm.xlane v3, v0;
	_ =	sdelay $0x1  }
0xf8: {  	v4 =	vadd.s32 v1, v4;
	_ =	sdelay $0x3  }
0xf9: {  	s6 =	simm.s32 $0x4200  }
0xfa: {  	[tilespmem:s6], [sflag:$0x1] =	stream.indirect_vreg.gather [hbm4b:s2+s0], $0x80, v4, vm0, $0xb8;
	[tilespmem:$0x18200] =	vst v63  }
0xfb: {  	s7 =	simm.s32 $0x4A00;
	v3 =	vperm.xlane v3, v2  }
0xfc: {  	[tilespmem:s7], [sflag:$0x1] =	stream.indirect_vreg.gather [hbm4b:s8+s0], $0x80, v4, vm0, $0xb8;
	[tilespmem:$0x18200] =	vst v63  }
0xfd: {  	s21 =	simm.s32 $0x5200;
	v3 =	vadd.s32 v1, v3  }
0xfe: {  	[tilespmem:s21], [sflag:$0x1] =	stream.indirect_vreg.gather [hbm4b:s9+s0], $0x80, v4, vm0, $0xb8;
	[tilespmem:$0x18200] =	vst v63  }
0xff: {  	s22 =	simm.s32 $0x5A00  }
0x100: {  	[tilespmem:s22], [sflag:$0x1] =	stream.indirect_vreg.gather [hbm4b:s11+s0], $0x80, v4, vm0, $0xb8;
	[tilespmem:$0x18200] =	vst v63  }
0x101: {  	s6 =	simm.s32 $0x6200  }
0x102: {  	[tilespmem:s6], [sflag:$0x1] =	stream.indirect_vreg.gather [hbm4b:s2+s0], $0x80, v3, vm0, $0xb8;
	[tilespmem:$0x18200] =	vst v63  }
0x103: {  	s7 =	simm.s32 $0x6A00  }
0x104: {  	[tilespmem:s7], [sflag:$0x1] =	stream.indirect_vreg.gather [hbm4b:s8+s0], $0x80, v3, vm0, $0xb8;
	[tilespmem:$0x18200] =	vst v63  }
0x105: {  	s21 =	simm.s32 $0x7200  }
0x106: {  	[tilespmem:s21], [sflag:$0x1] =	stream.indirect_vreg.gather [hbm4b:s9+s0], $0x80, v3, vm0, $0xb8;
	[tilespmem:$0x18200] =	vst v63  }
0x107: {  	s22 =	simm.s32 $0x7A00  }
0x108: {  	[tilespmem:s22], [sflag:$0x1] =	stream.indirect_vreg.gather [hbm4b:s11+s0], $0x80, v3, vm0, $0xb8;
	[tilespmem:$0x18200] =	vst v63  }
0x109: {  	_ =	swait.ge [sflag:s28], $0x8000  }
0x10a: {  	[sflag:s28] =	ssyncset.done $0x0  }
0x10b: {  	s5 =	simm.s32 $0x8200;
	[sflag:s28] =	ssyncadd.s32 $0xFFFF8000  }
0x10c: {  	[hbm4b:s12+s20] =	stream.strided.scatter [tilespmem:s5], [sflag:$0x5], $0x400, s25, s20, $0x38;
	[tilespmem:$0x18200] =	vst v63  }
0x10d: {  	s6 =	simm.s32 $0x8600;
	s7 =	sadd.s32 $0x40, s12  }
0x10e: {  	[hbm4b:s7+s20] =	stream.strided.scatter [tilespmem:s6], [sflag:$0x5], $0x400, s25, s20, $0x38;
	[tilespmem:$0x18200] =	vst v63  }
0x10f: {  	s21 =	simm.s32 $0x8A00;
	s22 =	sadd.s32 $0x80, s12  }
0x110: {  	[hbm4b:s22+s20] =	stream.strided.scatter [tilespmem:s21], [sflag:$0x5], $0x400, s25, s20, $0x38;
	[tilespmem:$0x18200] =	vst v63  }
0x111: {  	s6 =	simm.s32 $0x8E00;
	s7 =	sadd.s32 $0xC0, s12  }
0x112: {  	[hbm4b:s7+s20] =	stream.strided.scatter [tilespmem:s6], [sflag:$0x5], $0x400, s25, s20, $0x38;
	[tilespmem:$0x18200] =	vst v63  }
0x113: {  	s21 =	simm.s32 $0x9200;
	s22 =	sadd.s32 $0x100, s12  }
0x114: {  	[hbm4b:s22+s20] =	stream.strided.scatter [tilespmem:s21], [sflag:$0x5], $0x400, s25, s20, $0x38;
	[tilespmem:$0x18200] =	vst v63  }
0x115: {  	s0 =	simm.s32 $0x2000;
	s6 =	simm.s32 $0x9600;
	s7 =	sadd.s32 $0x140, s12  }
0x116: {  	[hbm4b:s7+s20] =	stream.strided.scatter [tilespmem:s6], [sflag:$0x5], $0x400, s25, s20, $0x38;
	[tilespmem:$0x18200] =	vst v63  }
0x117: {  	s5 =	simm.s32 $0x9E00;
	s21 =	simm.s32 $0x9A00;
	s22 =	sadd.s32 $0x180, s12  }
0x118: {  	[hbm4b:s22+s20] =	stream.strided.scatter [tilespmem:s21], [sflag:$0x5], $0x400, s25, s20, $0x38;
	[tilespmem:$0x18200] =	vst v63  }
0x119: {  	s6 =	sadd.s32 $0x1C0, s12;
	s22 =	simm.s32 $0x10000;
	s21 =	sadd.s32 $0x1000, s12  }
.LBB2_4:
0x11a: {  	[hbm4b:s6+s20] =	stream.strided.scatter [tilespmem:s5], [sflag:$0x5], $0x400, s25, s20, $0x38;
	[tilespmem:$0x18200] =	vst v63  }
0x11b: {  	s5 =	smov.u32 s0;
	s0 =	smov.u32 s22  }
0x11c: {  	s7 =	sadd.s32 $0x8000, s22;
	s0 =	sshra.s32 s0, $0x2;
	s6 =	sadd.s32 $0x8200, s5  }
0x11d: {  	[hbm4b:s21+s20] =	stream.strided.scatter [tilespmem:s6], [sflag:$0x5], $0x400, s25, s20, $0x38;
	[tilespmem:$0x18200] =	vst v63  }
0x11e: {  	p0 =	sne.s32 s22, $0x18000;
	s22 =	sadd.s32 $0x40, s21;
	s6 =	sadd.s32 $0x8600, s5  }
0x11f: {  	[hbm4b:s22+s20] =	stream.strided.scatter [tilespmem:s6], [sflag:$0x5], $0x400, s25, s20, $0x38;
	[tilespmem:$0x18200] =	vst v63  }
0x120: {  	s6 =	sadd.s32 $0x8A00, s5;
	s22 =	sadd.s32 $0x80, s21  }
0x121: {  	[hbm4b:s22+s20] =	stream.strided.scatter [tilespmem:s6], [sflag:$0x5], $0x400, s25, s20, $0x38;
	[tilespmem:$0x18200] =	vst v63  }
0x122: {  	s6 =	sadd.s32 $0x8E00, s5;
	s22 =	sadd.s32 $0xC0, s21  }
0x123: {  	[hbm4b:s22+s20] =	stream.strided.scatter [tilespmem:s6], [sflag:$0x5], $0x400, s25, s20, $0x38;
	[tilespmem:$0x18200] =	vst v63  }
0x124: {  	s6 =	sadd.s32 $0x9200, s5;
	s22 =	sadd.s32 $0x100, s21  }
0x125: {  	[hbm4b:s22+s20] =	stream.strided.scatter [tilespmem:s6], [sflag:$0x5], $0x400, s25, s20, $0x38;
	[tilespmem:$0x18200] =	vst v63  }
.Ltmp1:
0x126: {  	s6 =	sadd.s32 $0x9600, s5;
	s22 =	sadd.s32 $0x140, s21;
	(pc) =	sbr.rel @p0 .LBB2_4-.Ltmp1, $4  }
0x127: {  	[hbm4b:s22+s20] =	stream.strided.scatter [tilespmem:s6], [sflag:$0x5], $0x400, s25, s20, $0x38;
	[tilespmem:$0x18200] =	vst v63  }
0x128: {  	s6 =	sadd.s32 $0x9A00, s5;
	s22 =	sadd.s32 $0x180, s21;
	s5 =	sadd.s32 $0x9E00, s5  }
0x129: {  	[hbm4b:s22+s20] =	stream.strided.scatter [tilespmem:s6], [sflag:$0x5], $0x400, s25, s20, $0x38;
	[tilespmem:$0x18200] =	vst v63  }
0x12a: {  	s6 =	sadd.s32 $0x1C0, s21;
	s21 =	sadd.s32 $0x1000, s21;
	s22 =	smov.u32 s7  }
0x12b: {  	[hbm4b:s6+s20] =	stream.strided.scatter [tilespmem:s5], [sflag:$0x5], $0x400, s25, s20, $0x38;
	[tilespmem:$0x18200] =	vst v63  }
0x12c: {  	s6 =	sadd.s32 $0x8200, s0  }
0x12d: {  	[hbm4b:s21+s20] =	stream.strided.scatter [tilespmem:s6], [sflag:$0x5], $0x400, s25, s20, $0x38;
	[tilespmem:$0x18200] =	vst v63  }
0x12e: {  	s7 =	sadd.s32 $0x8600, s0;
	s22 =	sadd.s32 $0x40, s21  }
0x12f: {  	[hbm4b:s22+s20] =	stream.strided.scatter [tilespmem:s7], [sflag:$0x5], $0x400, s25, s20, $0x38;
	[tilespmem:$0x18200] =	vst v63  }
0x130: {  	s7 =	sadd.s32 $0x8A00, s0;
	s22 =	sadd.s32 $0x80, s21  }
0x131: {  	[hbm4b:s22+s20] =	stream.strided.scatter [tilespmem:s7], [sflag:$0x5], $0x400, s25, s20, $0x38;
	[tilespmem:$0x18200] =	vst v63  }
0x132: {  	s7 =	sadd.s32 $0x8E00, s0;
	s22 =	sadd.s32 $0xC0, s21  }
0x133: {  	[hbm4b:s22+s20] =	stream.strided.scatter [tilespmem:s7], [sflag:$0x5], $0x400, s25, s20, $0x38;
	[tilespmem:$0x18200] =	vst v63  }
0x134: {  	s7 =	sadd.s32 $0x9200, s0;
	s22 =	sadd.s32 $0x100, s21  }
0x135: {  	[hbm4b:s22+s20] =	stream.strided.scatter [tilespmem:s7], [sflag:$0x5], $0x400, s25, s20, $0x38;
	[tilespmem:$0x18200] =	vst v63  }
0x136: {  	s7 =	sadd.s32 $0x9600, s0;
	s22 =	sadd.s32 $0x140, s21  }
0x137: {  	[hbm4b:s22+s20] =	stream.strided.scatter [tilespmem:s7], [sflag:$0x5], $0x400, s25, s20, $0x38;
	[tilespmem:$0x18200] =	vst v63  }
0x138: {  	s7 =	sadd.s32 $0x9A00, s0;
	s22 =	sadd.s32 $0x180, s21  }
0x139: {  	[hbm4b:s22+s20] =	stream.strided.scatter [tilespmem:s7], [sflag:$0x5], $0x400, s25, s20, $0x38;
	[tilespmem:$0x18200] =	vst v63  }
0x13a: {  	s6 =	sadd.s32 $0x9E00, s0;
	s7 =	sadd.s32 $0x1C0, s21  }
0x13b: {  	[hbm4b:s7+s20] =	stream.strided.scatter [tilespmem:s6], [sflag:$0x5], $0x400, s25, s20, $0x38;
	[tilespmem:$0x18200] =	vst v63  }
0x13c: {  	_ =	swait.ge [sflag:s29], $0x8000  }
0x13d: {  	[sflag:s29] =	ssyncset.done $0x0  }
0x13e: {  	[sflag:s29] =	ssyncadd.s32 $0xFFFF8000  }
0x13f: {  	_ =	swait.ge [sflag:s23], $0x40  }
0x140: {  	[sflag:s23] =	ssyncset.done $0x0  }
0x141: {  	[sflag:s23] =	ssyncadd.s32 $0xFFFFFFC0  }
0x142: {  	v3 =	vld [tilespmem:$0x100];
	_ =	sdelay $0x4  }
0x143: {  	v4 =	vshll.u32 v3, $0x3  }
0x144: {  	v3 =	vand.u32 $0x7, v3;
	v4 =	vand.u32 $0xFFFFFFC0, v4  }
0x145: {  	v3 =	vor.u32 v3, v4  }
0x146: {  	v4 =	vperm.xlane v3, v0;
	_ =	sdelay $0x1  }
0x147: {  	v4 =	vadd.s32 v1, v4;
	_ =	sdelay $0x3  }
0x148: {  	s0 =	simm.s32 $0x0;
	s21 =	simm.s32 $0x8200  }
0x149: {  	[tilespmem:s21], [sflag:$0x2] =	stream.indirect_vreg.gather [hbm4b:s2+s0], $0x80, v4, vm0, $0xb8;
	[tilespmem:$0x18200] =	vst v63  }
0x14a: {  	s22 =	simm.s32 $0x8A00;
	v3 =	vperm.xlane v3, v2  }
0x14b: {  	[tilespmem:s22], [sflag:$0x2] =	stream.indirect_vreg.gather [hbm4b:s8+s0], $0x80, v4, vm0, $0xb8;
	[tilespmem:$0x18200] =	vst v63  }
0x14c: {  	s6 =	simm.s32 $0x9200;
	v3 =	vadd.s32 v1, v3  }
0x14d: {  	[tilespmem:s6], [sflag:$0x2] =	stream.indirect_vreg.gather [hbm4b:s9+s0], $0x80, v4, vm0, $0xb8;
	[tilespmem:$0x18200] =	vst v63  }
0x14e: {  	s7 =	simm.s32 $0x9A00  }
0x14f: {  	[tilespmem:s7], [sflag:$0x2] =	stream.indirect_vreg.gather [hbm4b:s11+s0], $0x80, v4, vm0, $0xb8;
	[tilespmem:$0x18200] =	vst v63  }
0x150: {  	s21 =	simm.s32 $0xA200  }
0x151: {  	[tilespmem:s21], [sflag:$0x2] =	stream.indirect_vreg.gather [hbm4b:s2+s0], $0x80, v3, vm0, $0xb8;
	[tilespmem:$0x18200] =	vst v63  }
0x152: {  	s22 =	simm.s32 $0xAA00  }
0x153: {  	[tilespmem:s22], [sflag:$0x2] =	stream.indirect_vreg.gather [hbm4b:s8+s0], $0x80, v3, vm0, $0xb8;
	[tilespmem:$0x18200] =	vst v63  }
0x154: {  	s6 =	simm.s32 $0xB200  }
0x155: {  	[tilespmem:s6], [sflag:$0x2] =	stream.indirect_vreg.gather [hbm4b:s9+s0], $0x80, v3, vm0, $0xb8;
	[tilespmem:$0x18200] =	vst v63  }
0x156: {  	s7 =	simm.s32 $0xBA00  }
0x157: {  	[tilespmem:s7], [sflag:$0x2] =	stream.indirect_vreg.gather [hbm4b:s11+s0], $0x80, v3, vm0, $0xb8;
	[tilespmem:$0x18200] =	vst v63  }
0x158: {  	v3 =	vld [tilespmem:$0x110];
	_ =	sdelay $0x4  }
0x159: {  	v63 =	vshll.u32 v3, $0x3  }
0x15a: {  	v3 =	vand.u32 $0x7, v3;
	v4 =	vand.u32 $0xFFFFFFC0, v63  }
0x15b: {  	v3 =	vor.u32 v3, v4  }
0x15c: {  	v4 =	vperm.xlane v3, v0;
	_ =	sdelay $0x1  }
0x15d: {  	v4 =	vadd.s32 v1, v4;
	_ =	sdelay $0x3  }
0x15e: {  	s21 =	simm.s32 $0xC200  }
0x15f: {  	[tilespmem:s21], [sflag:$0x2] =	stream.indirect_vreg.gather [hbm4b:s2+s0], $0x80, v4, vm0, $0xb8;
	[tilespmem:$0x18200] =	vst v63  }
0x160: {  	s22 =	simm.s32 $0xCA00;
	v3 =	vperm.xlane v3, v2  }
0x161: {  	[tilespmem:s22], [sflag:$0x2] =	stream.indirect_vreg.gather [hbm4b:s8+s0], $0x80, v4, vm0, $0xb8;
	[tilespmem:$0x18200] =	vst v63  }
0x162: {  	s6 =	simm.s32 $0xD200;
	v3 =	vadd.s32 v1, v3  }
0x163: {  	[tilespmem:s6], [sflag:$0x2] =	stream.indirect_vreg.gather [hbm4b:s9+s0], $0x80, v4, vm0, $0xb8;
	[tilespmem:$0x18200] =	vst v63  }
0x164: {  	s7 =	simm.s32 $0xDA00  }
0x165: {  	[tilespmem:s7], [sflag:$0x2] =	stream.indirect_vreg.gather [hbm4b:s11+s0], $0x80, v4, vm0, $0xb8;
	[tilespmem:$0x18200] =	vst v63  }
0x166: {  	s21 =	simm.s32 $0xE200  }
0x167: {  	[tilespmem:s21], [sflag:$0x2] =	stream.indirect_vreg.gather [hbm4b:s2+s0], $0x80, v3, vm0, $0xb8;
	[tilespmem:$0x18200] =	vst v63  }
0x168: {  	s22 =	simm.s32 $0xEA00  }
0x169: {  	[tilespmem:s22], [sflag:$0x2] =	stream.indirect_vreg.gather [hbm4b:s8+s0], $0x80, v3, vm0, $0xb8;
	[tilespmem:$0x18200] =	vst v63  }
0x16a: {  	_ = 	snop  }
0x16b: {  	[tilespmem:s19], [sflag:$0x2] =	stream.indirect_vreg.gather [hbm4b:s9+s0], $0x80, v3, vm0, $0xb8;
	[tilespmem:$0x18200] =	vst v63  }
0x16c: {  	_ = 	snop  }
0x16d: {  	[tilespmem:s4], [sflag:$0x2] =	stream.indirect_vreg.gather [hbm4b:s11+s0], $0x80, v3, vm0, $0xb8;
	[tilespmem:$0x18200] =	vst v63  }
0x16e: {  	_ =	swait.ge [sflag:s30], $0x8000  }
0x16f: {  	[sflag:s30] =	ssyncset.done $0x0  }
0x170: {  	s5 =	simm.s32 $0x10200;
	[sflag:s30] =	ssyncadd.s32 $0xFFFF8000  }
0x171: {  	[hbm4b:s13+s20] =	stream.strided.scatter [tilespmem:s5], [sflag:$0x6], $0x400, s25, s20, $0x38;
	[tilespmem:$0x18200] =	vst v63  }
0x172: {  	s6 =	simm.s32 $0x10600;
	s7 =	sadd.s32 $0x40, s13  }
0x173: {  	[hbm4b:s7+s20] =	stream.strided.scatter [tilespmem:s6], [sflag:$0x6], $0x400, s25, s20, $0x38;
	[tilespmem:$0x18200] =	vst v63  }
0x174: {  	s21 =	simm.s32 $0x10A00;
	s22 =	sadd.s32 $0x80, s13  }
0x175: {  	[hbm4b:s22+s20] =	stream.strided.scatter [tilespmem:s21], [sflag:$0x6], $0x400, s25, s20, $0x38;
	[tilespmem:$0x18200] =	vst v63  }
0x176: {  	s6 =	simm.s32 $0x10E00;
	s7 =	sadd.s32 $0xC0, s13  }
0x177: {  	[hbm4b:s7+s20] =	stream.strided.scatter [tilespmem:s6], [sflag:$0x6], $0x400, s25, s20, $0x38;
	[tilespmem:$0x18200] =	vst v63  }
0x178: {  	s21 =	simm.s32 $0x11200;
	s22 =	sadd.s32 $0x100, s13  }
0x179: {  	[hbm4b:s22+s20] =	stream.strided.scatter [tilespmem:s21], [sflag:$0x6], $0x400, s25, s20, $0x38;
	[tilespmem:$0x18200] =	vst v63  }
0x17a: {  	s0 =	simm.s32 $0x2000;
	s6 =	simm.s32 $0x11600;
	s7 =	sadd.s32 $0x140, s13  }
0x17b: {  	[hbm4b:s7+s20] =	stream.strided.scatter [tilespmem:s6], [sflag:$0x6], $0x400, s25, s20, $0x38;
	[tilespmem:$0x18200] =	vst v63  }
0x17c: {  	s5 =	simm.s32 $0x11E00;
	s21 =	simm.s32 $0x11A00;
	s22 =	sadd.s32 $0x180, s13  }
0x17d: {  	[hbm4b:s22+s20] =	stream.strided.scatter [tilespmem:s21], [sflag:$0x6], $0x400, s25, s20, $0x38;
	[tilespmem:$0x18200] =	vst v63  }
0x17e: {  	s6 =	sadd.s32 $0x1C0, s13;
	s22 =	simm.s32 $0x10000;
	s21 =	sadd.s32 $0x1000, s13  }
.LBB2_6:
0x17f: {  	[hbm4b:s6+s20] =	stream.strided.scatter [tilespmem:s5], [sflag:$0x6], $0x400, s25, s20, $0x38;
	[tilespmem:$0x18200] =	vst v63  }
0x180: {  	s5 =	smov.u32 s0;
	s0 =	smov.u32 s22  }
0x181: {  	s7 =	sadd.s32 $0x8000, s22;
	s0 =	sshra.s32 s0, $0x2;
	s6 =	sadd.s32 $0x10200, s5  }
0x182: {  	[hbm4b:s21+s20] =	stream.strided.scatter [tilespmem:s6], [sflag:$0x6], $0x400, s25, s20, $0x38;
	[tilespmem:$0x18200] =	vst v63  }
0x183: {  	p0 =	sne.s32 s22, $0x18000;
	s22 =	sadd.s32 $0x40, s21;
	s6 =	sadd.s32 $0x10600, s5  }
0x184: {  	[hbm4b:s22+s20] =	stream.strided.scatter [tilespmem:s6], [sflag:$0x6], $0x400, s25, s20, $0x38;
	[tilespmem:$0x18200] =	vst v63  }
0x185: {  	s6 =	sadd.s32 $0x10A00, s5;
	s22 =	sadd.s32 $0x80, s21  }
0x186: {  	[hbm4b:s22+s20] =	stream.strided.scatter [tilespmem:s6], [sflag:$0x6], $0x400, s25, s20, $0x38;
	[tilespmem:$0x18200] =	vst v63  }
0x187: {  	s6 =	sadd.s32 $0x10E00, s5;
	s22 =	sadd.s32 $0xC0, s21  }
0x188: {  	[hbm4b:s22+s20] =	stream.strided.scatter [tilespmem:s6], [sflag:$0x6], $0x400, s25, s20, $0x38;
	[tilespmem:$0x18200] =	vst v63  }
0x189: {  	s6 =	sadd.s32 $0x11200, s5;
	s22 =	sadd.s32 $0x100, s21  }
0x18a: {  	[hbm4b:s22+s20] =	stream.strided.scatter [tilespmem:s6], [sflag:$0x6], $0x400, s25, s20, $0x38;
	[tilespmem:$0x18200] =	vst v63  }
.Ltmp2:
0x18b: {  	s6 =	sadd.s32 $0x11600, s5;
	s22 =	sadd.s32 $0x140, s21;
	(pc) =	sbr.rel @p0 .LBB2_6-.Ltmp2, $4  }
0x18c: {  	[hbm4b:s22+s20] =	stream.strided.scatter [tilespmem:s6], [sflag:$0x6], $0x400, s25, s20, $0x38;
	[tilespmem:$0x18200] =	vst v63  }
0x18d: {  	s6 =	sadd.s32 $0x11A00, s5;
	s22 =	sadd.s32 $0x180, s21;
	s5 =	sadd.s32 $0x11E00, s5  }
0x18e: {  	[hbm4b:s22+s20] =	stream.strided.scatter [tilespmem:s6], [sflag:$0x6], $0x400, s25, s20, $0x38;
	[tilespmem:$0x18200] =	vst v63  }
0x18f: {  	s6 =	sadd.s32 $0x1C0, s21;
	s21 =	sadd.s32 $0x1000, s21;
	s22 =	smov.u32 s7  }
0x190: {  	[hbm4b:s6+s20] =	stream.strided.scatter [tilespmem:s5], [sflag:$0x6], $0x400, s25, s20, $0x38;
	[tilespmem:$0x18200] =	vst v63  }
0x191: {  	s6 =	sadd.s32 $0x10200, s0  }
0x192: {  	[hbm4b:s21+s20] =	stream.strided.scatter [tilespmem:s6], [sflag:$0x6], $0x400, s25, s20, $0x38;
	[tilespmem:$0x18200] =	vst v63  }
0x193: {  	s7 =	sadd.s32 $0x10600, s0;
	s22 =	sadd.s32 $0x40, s21  }
0x194: {  	[hbm4b:s22+s20] =	stream.strided.scatter [tilespmem:s7], [sflag:$0x6], $0x400, s25, s20, $0x38;
	[tilespmem:$0x18200] =	vst v63  }
0x195: {  	s7 =	sadd.s32 $0x10A00, s0;
	s22 =	sadd.s32 $0x80, s21  }
0x196: {  	[hbm4b:s22+s20] =	stream.strided.scatter [tilespmem:s7], [sflag:$0x6], $0x400, s25, s20, $0x38;
	[tilespmem:$0x18200] =	vst v63  }
0x197: {  	s7 =	sadd.s32 $0x10E00, s0;
	s22 =	sadd.s32 $0xC0, s21  }
0x198: {  	[hbm4b:s22+s20] =	stream.strided.scatter [tilespmem:s7], [sflag:$0x6], $0x400, s25, s20, $0x38;
	[tilespmem:$0x18200] =	vst v63  }
0x199: {  	s7 =	sadd.s32 $0x11200, s0;
	s22 =	sadd.s32 $0x100, s21  }
0x19a: {  	[hbm4b:s22+s20] =	stream.strided.scatter [tilespmem:s7], [sflag:$0x6], $0x400, s25, s20, $0x38;
	[tilespmem:$0x18200] =	vst v63  }
0x19b: {  	s7 =	sadd.s32 $0x11600, s0;
	s22 =	sadd.s32 $0x140, s21  }
0x19c: {  	[hbm4b:s22+s20] =	stream.strided.scatter [tilespmem:s7], [sflag:$0x6], $0x400, s25, s20, $0x38;
	[tilespmem:$0x18200] =	vst v63  }
0x19d: {  	s7 =	sadd.s32 $0x11A00, s0;
	s22 =	sadd.s32 $0x180, s21  }
0x19e: {  	[hbm4b:s22+s20] =	stream.strided.scatter [tilespmem:s7], [sflag:$0x6], $0x400, s25, s20, $0x38;
	[tilespmem:$0x18200] =	vst v63  }
0x19f: {  	s7 =	sadd.s32 $0x11E00, s0;
	s22 =	sadd.s32 $0x1C0, s21  }
0x1a0: {  	[hbm4b:s22+s20] =	stream.strided.scatter [tilespmem:s7], [sflag:$0x6], $0x400, s25, s20, $0x38;
	[tilespmem:$0x18200] =	vst v63  }
0x1a1: {  	_ =	swait.ge [sflag:s31], $0x8000  }
0x1a2: {  	[sflag:s31] =	ssyncset.done $0x0  }
0x1a3: {  	[sflag:s31] =	ssyncadd.s32 $0xFFFF8000  }
0x1a4: {  	v3 =	vld [tilespmem:$0x120];
	_ =	sdelay $0x4  }
0x1a5: {  	v4 =	vshll.u32 v3, $0x3  }
0x1a6: {  	v3 =	vand.u32 $0x7, v3;
	v4 =	vand.u32 $0xFFFFFFC0, v4  }
0x1a7: {  	v3 =	vor.u32 v3, v4  }
0x1a8: {  	v4 =	vperm.xlane v3, v0;
	_ =	sdelay $0x1  }
0x1a9: {  	v4 =	vadd.s32 v1, v4;
	_ =	sdelay $0x3  }
0x1aa: {  	s6 =	simm.s32 $0x10200;
	s0 =	simm.s32 $0x0  }
0x1ab: {  	[tilespmem:s6], [sflag:$0x3] =	stream.indirect_vreg.gather [hbm4b:s2+s0], $0x80, v4, vm0, $0xb8;
	[tilespmem:$0x18200] =	vst v63  }
0x1ac: {  	s7 =	simm.s32 $0x10A00;
	v3 =	vperm.xlane v3, v2  }
0x1ad: {  	[tilespmem:s7], [sflag:$0x3] =	stream.indirect_vreg.gather [hbm4b:s8+s0], $0x80, v4, vm0, $0xb8;
	[tilespmem:$0x18200] =	vst v63  }
0x1ae: {  	s21 =	simm.s32 $0x11200;
	v3 =	vadd.s32 v1, v3  }
0x1af: {  	[tilespmem:s21], [sflag:$0x3] =	stream.indirect_vreg.gather [hbm4b:s9+s0], $0x80, v4, vm0, $0xb8;
	[tilespmem:$0x18200] =	vst v63  }
0x1b0: {  	s22 =	simm.s32 $0x11A00  }
0x1b1: {  	[tilespmem:s22], [sflag:$0x3] =	stream.indirect_vreg.gather [hbm4b:s11+s0], $0x80, v4, vm0, $0xb8;
	[tilespmem:$0x18200] =	vst v63  }
0x1b2: {  	s6 =	simm.s32 $0x12200  }
0x1b3: {  	[tilespmem:s6], [sflag:$0x3] =	stream.indirect_vreg.gather [hbm4b:s2+s0], $0x80, v3, vm0, $0xb8;
	[tilespmem:$0x18200] =	vst v63  }
0x1b4: {  	s7 =	simm.s32 $0x12A00  }
0x1b5: {  	[tilespmem:s7], [sflag:$0x3] =	stream.indirect_vreg.gather [hbm4b:s8+s0], $0x80, v3, vm0, $0xb8;
	[tilespmem:$0x18200] =	vst v63  }
0x1b6: {  	s21 =	simm.s32 $0x13200  }
0x1b7: {  	[tilespmem:s21], [sflag:$0x3] =	stream.indirect_vreg.gather [hbm4b:s9+s0], $0x80, v3, vm0, $0xb8;
	[tilespmem:$0x18200] =	vst v63  }
0x1b8: {  	s22 =	simm.s32 $0x13A00  }
0x1b9: {  	[tilespmem:s22], [sflag:$0x3] =	stream.indirect_vreg.gather [hbm4b:s11+s0], $0x80, v3, vm0, $0xb8;
	[tilespmem:$0x18200] =	vst v63  }
0x1ba: {  	v3 =	vld [tilespmem:$0x130];
	_ =	sdelay $0x4  }
0x1bb: {  	v63 =	vshll.u32 v3, $0x3  }
0x1bc: {  	v3 =	vand.u32 $0x7, v3;
	v4 =	vand.u32 $0xFFFFFFC0, v63  }
0x1bd: {  	v3 =	vor.u32 v3, v4  }
0x1be: {  	v4 =	vperm.xlane v3, v0;
	_ =	sdelay $0x1  }
0x1bf: {  	v4 =	vadd.s32 v1, v4;
	_ =	sdelay $0x3  }
0x1c0: {  	s6 =	simm.s32 $0x14200  }
0x1c1: {  	[tilespmem:s6], [sflag:$0x3] =	stream.indirect_vreg.gather [hbm4b:s2+s0], $0x80, v4, vm0, $0xb8;
	[tilespmem:$0x18200] =	vst v63  }
0x1c2: {  	s7 =	simm.s32 $0x14A00;
	v3 =	vperm.xlane v3, v2  }
0x1c3: {  	[tilespmem:s7], [sflag:$0x3] =	stream.indirect_vreg.gather [hbm4b:s8+s0], $0x80, v4, vm0, $0xb8;
	[tilespmem:$0x18200] =	vst v63  }
0x1c4: {  	s21 =	simm.s32 $0x15200;
	v3 =	vadd.s32 v1, v3  }
0x1c5: {  	[tilespmem:s21], [sflag:$0x3] =	stream.indirect_vreg.gather [hbm4b:s9+s0], $0x80, v4, vm0, $0xb8;
	[tilespmem:$0x18200] =	vst v63  }
0x1c6: {  	s22 =	simm.s32 $0x15A00  }
0x1c7: {  	[tilespmem:s22], [sflag:$0x3] =	stream.indirect_vreg.gather [hbm4b:s11+s0], $0x80, v4, vm0, $0xb8;
	[tilespmem:$0x18200] =	vst v63  }
0x1c8: {  	s6 =	simm.s32 $0x16200  }
0x1c9: {  	[tilespmem:s6], [sflag:$0x3] =	stream.indirect_vreg.gather [hbm4b:s2+s0], $0x80, v3, vm0, $0xb8;
	[tilespmem:$0x18200] =	vst v63  }
0x1ca: {  	s7 =	simm.s32 $0x16A00  }
0x1cb: {  	[tilespmem:s7], [sflag:$0x3] =	stream.indirect_vreg.gather [hbm4b:s8+s0], $0x80, v3, vm0, $0xb8;
	[tilespmem:$0x18200] =	vst v63  }
0x1cc: {  	s21 =	simm.s32 $0x17200  }
0x1cd: {  	[tilespmem:s21], [sflag:$0x3] =	stream.indirect_vreg.gather [hbm4b:s9+s0], $0x80, v3, vm0, $0xb8;
	[tilespmem:$0x18200] =	vst v63  }
0x1ce: {  	s22 =	simm.s32 $0x17A00  }
0x1cf: {  	[tilespmem:s22], [sflag:$0x3] =	stream.indirect_vreg.gather [hbm4b:s11+s0], $0x80, v3, vm0, $0xb8;
	[tilespmem:$0x18200] =	vst v63  }
0x1d0: {  	_ =	swait.ge [sflag:s24], $0x8000  }
0x1d1: {  	[sflag:s24] =	ssyncset.done $0x0  }
0x1d2: {  	s5 =	simm.s32 $0x200;
	[sflag:s24] =	ssyncadd.s32 $0xFFFF8000  }
0x1d3: {  	[hbm4b:s14+s20] =	stream.strided.scatter [tilespmem:s5], [sflag:$0x4], $0x400, s25, s20, $0x38;
	[tilespmem:$0x18200] =	vst v63  }
0x1d4: {  	s6 =	simm.s32 $0x600;
	s7 =	sadd.s32 $0x40, s14  }
0x1d5: {  	[hbm4b:s7+s20] =	stream.strided.scatter [tilespmem:s6], [sflag:$0x4], $0x400, s25, s20, $0x38;
	[tilespmem:$0x18200] =	vst v63  }
0x1d6: {  	s21 =	simm.s32 $0xA00;
	s22 =	sadd.s32 $0x80, s14  }
0x1d7: {  	[hbm4b:s22+s20] =	stream.strided.scatter [tilespmem:s21], [sflag:$0x4], $0x400, s25, s20, $0x38;
	[tilespmem:$0x18200] =	vst v63  }
0x1d8: {  	s6 =	simm.s32 $0xE00;
	s7 =	sadd.s32 $0xC0, s14  }
0x1d9: {  	[hbm4b:s7+s20] =	stream.strided.scatter [tilespmem:s6], [sflag:$0x4], $0x400, s25, s20, $0x38;
	[tilespmem:$0x18200] =	vst v63  }
0x1da: {  	s21 =	simm.s32 $0x1200;
	s22 =	sadd.s32 $0x100, s14  }
0x1db: {  	[hbm4b:s22+s20] =	stream.strided.scatter [tilespmem:s21], [sflag:$0x4], $0x400, s25, s20, $0x38;
	[tilespmem:$0x18200] =	vst v63  }
0x1dc: {  	s0 =	simm.s32 $0x2000;
	s6 =	simm.s32 $0x1600;
	s7 =	sadd.s32 $0x140, s14  }
0x1dd: {  	[hbm4b:s7+s20] =	stream.strided.scatter [tilespmem:s6], [sflag:$0x4], $0x400, s25, s20, $0x38;
	[tilespmem:$0x18200] =	vst v63  }
0x1de: {  	s5 =	simm.s32 $0x1E00;
	s21 =	simm.s32 $0x1A00;
	s22 =	sadd.s32 $0x180, s14  }
0x1df: {  	[hbm4b:s22+s20] =	stream.strided.scatter [tilespmem:s21], [sflag:$0x4], $0x400, s25, s20, $0x38;
	[tilespmem:$0x18200] =	vst v63  }
0x1e0: {  	s6 =	sadd.s32 $0x1C0, s14;
	s22 =	simm.s32 $0x10000;
	s21 =	sadd.s32 $0x1000, s14  }
.LBB2_8:
0x1e1: {  	[hbm4b:s6+s20] =	stream.strided.scatter [tilespmem:s5], [sflag:$0x4], $0x400, s25, s20, $0x38;
	[tilespmem:$0x18200] =	vst v63  }
0x1e2: {  	s5 =	smov.u32 s0;
	s0 =	smov.u32 s22  }
0x1e3: {  	s7 =	sadd.s32 $0x8000, s22;
	s0 =	sshra.s32 s0, $0x2;
	s6 =	sadd.s32 $0x200, s5  }
0x1e4: {  	[hbm4b:s21+s20] =	stream.strided.scatter [tilespmem:s6], [sflag:$0x4], $0x400, s25, s20, $0x38;
	[tilespmem:$0x18200] =	vst v63  }
0x1e5: {  	p0 =	sne.s32 s22, $0x18000;
	s22 =	sadd.s32 $0x40, s21;
	s6 =	sadd.s32 $0x600, s5  }
0x1e6: {  	[hbm4b:s22+s20] =	stream.strided.scatter [tilespmem:s6], [sflag:$0x4], $0x400, s25, s20, $0x38;
	[tilespmem:$0x18200] =	vst v63  }
0x1e7: {  	s6 =	sadd.s32 $0xA00, s5;
	s22 =	sadd.s32 $0x80, s21  }
0x1e8: {  	[hbm4b:s22+s20] =	stream.strided.scatter [tilespmem:s6], [sflag:$0x4], $0x400, s25, s20, $0x38;
	[tilespmem:$0x18200] =	vst v63  }
0x1e9: {  	s6 =	sadd.s32 $0xE00, s5;
	s22 =	sadd.s32 $0xC0, s21  }
0x1ea: {  	[hbm4b:s22+s20] =	stream.strided.scatter [tilespmem:s6], [sflag:$0x4], $0x400, s25, s20, $0x38;
	[tilespmem:$0x18200] =	vst v63  }
0x1eb: {  	s6 =	sadd.s32 $0x1200, s5;
	s22 =	sadd.s32 $0x100, s21  }
0x1ec: {  	[hbm4b:s22+s20] =	stream.strided.scatter [tilespmem:s6], [sflag:$0x4], $0x400, s25, s20, $0x38;
	[tilespmem:$0x18200] =	vst v63  }
.Ltmp3:
0x1ed: {  	s6 =	sadd.s32 $0x1600, s5;
	s22 =	sadd.s32 $0x140, s21;
	(pc) =	sbr.rel @p0 .LBB2_8-.Ltmp3, $4  }
0x1ee: {  	[hbm4b:s22+s20] =	stream.strided.scatter [tilespmem:s6], [sflag:$0x4], $0x400, s25, s20, $0x38;
	[tilespmem:$0x18200] =	vst v63  }
0x1ef: {  	s6 =	sadd.s32 $0x1A00, s5;
	s22 =	sadd.s32 $0x180, s21;
	s5 =	sadd.s32 $0x1E00, s5  }
0x1f0: {  	[hbm4b:s22+s20] =	stream.strided.scatter [tilespmem:s6], [sflag:$0x4], $0x400, s25, s20, $0x38;
	[tilespmem:$0x18200] =	vst v63  }
0x1f1: {  	s6 =	sadd.s32 $0x1C0, s21;
	s21 =	sadd.s32 $0x1000, s21;
	s22 =	smov.u32 s7  }
0x1f2: {  	[hbm4b:s6+s20] =	stream.strided.scatter [tilespmem:s5], [sflag:$0x4], $0x400, s25, s20, $0x38;
	[tilespmem:$0x18200] =	vst v63  }
0x1f3: {  	s6 =	sadd.s32 $0x200, s0  }
0x1f4: {  	[hbm4b:s21+s20] =	stream.strided.scatter [tilespmem:s6], [sflag:$0x4], $0x400, s25, s20, $0x38;
	[tilespmem:$0x18200] =	vst v63  }
0x1f5: {  	s7 =	sadd.s32 $0x600, s0;
	s22 =	sadd.s32 $0x40, s21  }
0x1f6: {  	[hbm4b:s22+s20] =	stream.strided.scatter [tilespmem:s7], [sflag:$0x4], $0x400, s25, s20, $0x38;
	[tilespmem:$0x18200] =	vst v63  }
0x1f7: {  	s7 =	sadd.s32 $0xA00, s0;
	s22 =	sadd.s32 $0x80, s21  }
0x1f8: {  	[hbm4b:s22+s20] =	stream.strided.scatter [tilespmem:s7], [sflag:$0x4], $0x400, s25, s20, $0x38;
	[tilespmem:$0x18200] =	vst v63  }
0x1f9: {  	s7 =	sadd.s32 $0xE00, s0;
	s22 =	sadd.s32 $0xC0, s21  }
0x1fa: {  	[hbm4b:s22+s20] =	stream.strided.scatter [tilespmem:s7], [sflag:$0x4], $0x400, s25, s20, $0x38;
	[tilespmem:$0x18200] =	vst v63  }
0x1fb: {  	s7 =	sadd.s32 $0x1200, s0;
	s22 =	sadd.s32 $0x100, s21  }
0x1fc: {  	[hbm4b:s22+s20] =	stream.strided.scatter [tilespmem:s7], [sflag:$0x4], $0x400, s25, s20, $0x38;
	[tilespmem:$0x18200] =	vst v63  }
0x1fd: {  	s7 =	sadd.s32 $0x1600, s0;
	s22 =	sadd.s32 $0x140, s21  }
0x1fe: {  	[hbm4b:s22+s20] =	stream.strided.scatter [tilespmem:s7], [sflag:$0x4], $0x400, s25, s20, $0x38;
	[tilespmem:$0x18200] =	vst v63  }
0x1ff: {  	s7 =	sadd.s32 $0x1A00, s0;
	s22 =	sadd.s32 $0x180, s21  }
0x200: {  	[hbm4b:s22+s20] =	stream.strided.scatter [tilespmem:s7], [sflag:$0x4], $0x400, s25, s20, $0x38;
	[tilespmem:$0x18200] =	vst v63  }
0x201: {  	s7 =	sadd.s32 $0x1E00, s0;
	s22 =	sadd.s32 $0x1C0, s21  }
0x202: {  	[hbm4b:s22+s20] =	stream.strided.scatter [tilespmem:s7], [sflag:$0x4], $0x400, s25, s20, $0x38;
	[tilespmem:$0x18200] =	vst v63  }
0x203: {  	_ =	swait.ge [sflag:s26], $0x8000  }
0x204: {  	[sflag:s26] =	ssyncset.done $0x0  }
0x205: {  	[sflag:s26] =	ssyncadd.s32 $0xFFFF8000  }
0x206: {  	_ =	swait.ge [sflag:s23], $0x40  }
0x207: {  	[sflag:s23] =	ssyncset.done $0x0  }
0x208: {  	[sflag:s23] =	ssyncadd.s32 $0xFFFFFFC0  }
0x209: {  	v3 =	vld [tilespmem:$0x180];
	_ =	sdelay $0x4  }
0x20a: {  	v4 =	vshll.u32 v3, $0x3  }
0x20b: {  	v3 =	vand.u32 $0x7, v3;
	v4 =	vand.u32 $0xFFFFFFC0, v4  }
0x20c: {  	v3 =	vor.u32 v3, v4  }
0x20d: {  	v4 =	vperm.xlane v3, v0;
	_ =	sdelay $0x1  }
0x20e: {  	v4 =	vadd.s32 v1, v4;
	_ =	sdelay $0x3  }
0x20f: {  	s6 =	simm.s32 $0x200;
	s0 =	simm.s32 $0x0  }
0x210: {  	[tilespmem:s6], [sflag:$0x1] =	stream.indirect_vreg.gather [hbm4b:s2+s0], $0x80, v4, vm0, $0xb8;
	[tilespmem:$0x18200] =	vst v63  }
0x211: {  	s7 =	simm.s32 $0xA00;
	v3 =	vperm.xlane v3, v2  }
0x212: {  	[tilespmem:s7], [sflag:$0x1] =	stream.indirect_vreg.gather [hbm4b:s8+s0], $0x80, v4, vm0, $0xb8;
	[tilespmem:$0x18200] =	vst v63  }
0x213: {  	s21 =	simm.s32 $0x1200;
	v3 =	vadd.s32 v1, v3  }
0x214: {  	[tilespmem:s21], [sflag:$0x1] =	stream.indirect_vreg.gather [hbm4b:s9+s0], $0x80, v4, vm0, $0xb8;
	[tilespmem:$0x18200] =	vst v63  }
0x215: {  	s22 =	simm.s32 $0x1A00  }
0x216: {  	[tilespmem:s22], [sflag:$0x1] =	stream.indirect_vreg.gather [hbm4b:s11+s0], $0x80, v4, vm0, $0xb8;
	[tilespmem:$0x18200] =	vst v63  }
0x217: {  	s6 =	simm.s32 $0x2200  }
0x218: {  	[tilespmem:s6], [sflag:$0x1] =	stream.indirect_vreg.gather [hbm4b:s2+s0], $0x80, v3, vm0, $0xb8;
	[tilespmem:$0x18200] =	vst v63  }
0x219: {  	s7 =	simm.s32 $0x2A00  }
0x21a: {  	[tilespmem:s7], [sflag:$0x1] =	stream.indirect_vreg.gather [hbm4b:s8+s0], $0x80, v3, vm0, $0xb8;
	[tilespmem:$0x18200] =	vst v63  }
0x21b: {  	s21 =	simm.s32 $0x3200  }
0x21c: {  	[tilespmem:s21], [sflag:$0x1] =	stream.indirect_vreg.gather [hbm4b:s9+s0], $0x80, v3, vm0, $0xb8;
	[tilespmem:$0x18200] =	vst v63  }
0x21d: {  	s22 =	simm.s32 $0x3A00  }
0x21e: {  	[tilespmem:s22], [sflag:$0x1] =	stream.indirect_vreg.gather [hbm4b:s11+s0], $0x80, v3, vm0, $0xb8;
	[tilespmem:$0x18200] =	vst v63  }
0x21f: {  	v3 =	vld [tilespmem:$0x190];
	_ =	sdelay $0x4  }
0x220: {  	v63 =	vshll.u32 v3, $0x3  }
0x221: {  	v3 =	vand.u32 $0x7, v3;
	v4 =	vand.u32 $0xFFFFFFC0, v63  }
0x222: {  	v3 =	vor.u32 v3, v4  }
0x223: {  	v4 =	vperm.xlane v3, v0;
	_ =	sdelay $0x1  }
0x224: {  	v4 =	vadd.s32 v1, v4;
	_ =	sdelay $0x3  }
0x225: {  	s6 =	simm.s32 $0x4200  }
0x226: {  	[tilespmem:s6], [sflag:$0x1] =	stream.indirect_vreg.gather [hbm4b:s2+s0], $0x80, v4, vm0, $0xb8;
	[tilespmem:$0x18200] =	vst v63  }
0x227: {  	s7 =	simm.s32 $0x4A00;
	v3 =	vperm.xlane v3, v2  }
0x228: {  	[tilespmem:s7], [sflag:$0x1] =	stream.indirect_vreg.gather [hbm4b:s8+s0], $0x80, v4, vm0, $0xb8;
	[tilespmem:$0x18200] =	vst v63  }
0x229: {  	s21 =	simm.s32 $0x5200;
	v3 =	vadd.s32 v1, v3  }
0x22a: {  	[tilespmem:s21], [sflag:$0x1] =	stream.indirect_vreg.gather [hbm4b:s9+s0], $0x80, v4, vm0, $0xb8;
	[tilespmem:$0x18200] =	vst v63  }
0x22b: {  	s22 =	simm.s32 $0x5A00  }
0x22c: {  	[tilespmem:s22], [sflag:$0x1] =	stream.indirect_vreg.gather [hbm4b:s11+s0], $0x80, v4, vm0, $0xb8;
	[tilespmem:$0x18200] =	vst v63  }
0x22d: {  	s6 =	simm.s32 $0x6200  }
0x22e: {  	[tilespmem:s6], [sflag:$0x1] =	stream.indirect_vreg.gather [hbm4b:s2+s0], $0x80, v3, vm0, $0xb8;
	[tilespmem:$0x18200] =	vst v63  }
0x22f: {  	s7 =	simm.s32 $0x6A00  }
0x230: {  	[tilespmem:s7], [sflag:$0x1] =	stream.indirect_vreg.gather [hbm4b:s8+s0], $0x80, v3, vm0, $0xb8;
	[tilespmem:$0x18200] =	vst v63  }
0x231: {  	s21 =	simm.s32 $0x7200  }
0x232: {  	[tilespmem:s21], [sflag:$0x1] =	stream.indirect_vreg.gather [hbm4b:s9+s0], $0x80, v3, vm0, $0xb8;
	[tilespmem:$0x18200] =	vst v63  }
0x233: {  	s22 =	simm.s32 $0x7A00  }
0x234: {  	[tilespmem:s22], [sflag:$0x1] =	stream.indirect_vreg.gather [hbm4b:s11+s0], $0x80, v3, vm0, $0xb8;
	[tilespmem:$0x18200] =	vst v63  }
0x235: {  	_ =	swait.ge [sflag:s28], $0x8000  }
0x236: {  	[sflag:s28] =	ssyncset.done $0x0  }
0x237: {  	s5 =	simm.s32 $0x8200;
	[sflag:s28] =	ssyncadd.s32 $0xFFFF8000  }
0x238: {  	[hbm4b:s15+s20] =	stream.strided.scatter [tilespmem:s5], [sflag:$0x5], $0x400, s25, s20, $0x38;
	[tilespmem:$0x18200] =	vst v63  }
0x239: {  	s6 =	simm.s32 $0x8600;
	s7 =	sadd.s32 $0x40, s15  }
0x23a: {  	[hbm4b:s7+s20] =	stream.strided.scatter [tilespmem:s6], [sflag:$0x5], $0x400, s25, s20, $0x38;
	[tilespmem:$0x18200] =	vst v63  }
0x23b: {  	s21 =	simm.s32 $0x8A00;
	s22 =	sadd.s32 $0x80, s15  }
0x23c: {  	[hbm4b:s22+s20] =	stream.strided.scatter [tilespmem:s21], [sflag:$0x5], $0x400, s25, s20, $0x38;
	[tilespmem:$0x18200] =	vst v63  }
0x23d: {  	s6 =	simm.s32 $0x8E00;
	s7 =	sadd.s32 $0xC0, s15  }
0x23e: {  	[hbm4b:s7+s20] =	stream.strided.scatter [tilespmem:s6], [sflag:$0x5], $0x400, s25, s20, $0x38;
	[tilespmem:$0x18200] =	vst v63  }
0x23f: {  	s21 =	simm.s32 $0x9200;
	s22 =	sadd.s32 $0x100, s15  }
0x240: {  	[hbm4b:s22+s20] =	stream.strided.scatter [tilespmem:s21], [sflag:$0x5], $0x400, s25, s20, $0x38;
	[tilespmem:$0x18200] =	vst v63  }
0x241: {  	s0 =	simm.s32 $0x2000;
	s6 =	simm.s32 $0x9600;
	s7 =	sadd.s32 $0x140, s15  }
0x242: {  	[hbm4b:s7+s20] =	stream.strided.scatter [tilespmem:s6], [sflag:$0x5], $0x400, s25, s20, $0x38;
	[tilespmem:$0x18200] =	vst v63  }
0x243: {  	s5 =	simm.s32 $0x9E00;
	s21 =	simm.s32 $0x9A00;
	s22 =	sadd.s32 $0x180, s15  }
0x244: {  	[hbm4b:s22+s20] =	stream.strided.scatter [tilespmem:s21], [sflag:$0x5], $0x400, s25, s20, $0x38;
	[tilespmem:$0x18200] =	vst v63  }
0x245: {  	s6 =	sadd.s32 $0x1C0, s15;
	s22 =	simm.s32 $0x10000;
	s21 =	sadd.s32 $0x1000, s15  }
.LBB2_10:
0x246: {  	[hbm4b:s6+s20] =	stream.strided.scatter [tilespmem:s5], [sflag:$0x5], $0x400, s25, s20, $0x38;
	[tilespmem:$0x18200] =	vst v63  }
0x247: {  	s5 =	smov.u32 s0;
	s0 =	smov.u32 s22  }
0x248: {  	s7 =	sadd.s32 $0x8000, s22;
	s0 =	sshra.s32 s0, $0x2;
	s6 =	sadd.s32 $0x8200, s5  }
0x249: {  	[hbm4b:s21+s20] =	stream.strided.scatter [tilespmem:s6], [sflag:$0x5], $0x400, s25, s20, $0x38;
	[tilespmem:$0x18200] =	vst v63  }
0x24a: {  	p0 =	sne.s32 s22, $0x18000;
	s22 =	sadd.s32 $0x40, s21;
	s6 =	sadd.s32 $0x8600, s5  }
0x24b: {  	[hbm4b:s22+s20] =	stream.strided.scatter [tilespmem:s6], [sflag:$0x5], $0x400, s25, s20, $0x38;
	[tilespmem:$0x18200] =	vst v63  }
0x24c: {  	s6 =	sadd.s32 $0x8A00, s5;
	s22 =	sadd.s32 $0x80, s21  }
0x24d: {  	[hbm4b:s22+s20] =	stream.strided.scatter [tilespmem:s6], [sflag:$0x5], $0x400, s25, s20, $0x38;
	[tilespmem:$0x18200] =	vst v63  }
0x24e: {  	s6 =	sadd.s32 $0x8E00, s5;
	s22 =	sadd.s32 $0xC0, s21  }
0x24f: {  	[hbm4b:s22+s20] =	stream.strided.scatter [tilespmem:s6], [sflag:$0x5], $0x400, s25, s20, $0x38;
	[tilespmem:$0x18200] =	vst v63  }
0x250: {  	s6 =	sadd.s32 $0x9200, s5;
	s22 =	sadd.s32 $0x100, s21  }
0x251: {  	[hbm4b:s22+s20] =	stream.strided.scatter [tilespmem:s6], [sflag:$0x5], $0x400, s25, s20, $0x38;
	[tilespmem:$0x18200] =	vst v63  }
.Ltmp4:
0x252: {  	s6 =	sadd.s32 $0x9600, s5;
	s22 =	sadd.s32 $0x140, s21;
	(pc) =	sbr.rel @p0 .LBB2_10-.Ltmp4, $4  }
0x253: {  	[hbm4b:s22+s20] =	stream.strided.scatter [tilespmem:s6], [sflag:$0x5], $0x400, s25, s20, $0x38;
	[tilespmem:$0x18200] =	vst v63  }
0x254: {  	s6 =	sadd.s32 $0x9A00, s5;
	s22 =	sadd.s32 $0x180, s21;
	s5 =	sadd.s32 $0x9E00, s5  }
0x255: {  	[hbm4b:s22+s20] =	stream.strided.scatter [tilespmem:s6], [sflag:$0x5], $0x400, s25, s20, $0x38;
	[tilespmem:$0x18200] =	vst v63  }
0x256: {  	s6 =	sadd.s32 $0x1C0, s21;
	s21 =	sadd.s32 $0x1000, s21;
	s22 =	smov.u32 s7  }
0x257: {  	[hbm4b:s6+s20] =	stream.strided.scatter [tilespmem:s5], [sflag:$0x5], $0x400, s25, s20, $0x38;
	[tilespmem:$0x18200] =	vst v63  }
0x258: {  	s6 =	sadd.s32 $0x8200, s0  }
0x259: {  	[hbm4b:s21+s20] =	stream.strided.scatter [tilespmem:s6], [sflag:$0x5], $0x400, s25, s20, $0x38;
	[tilespmem:$0x18200] =	vst v63  }
0x25a: {  	s7 =	sadd.s32 $0x8600, s0;
	s22 =	sadd.s32 $0x40, s21  }
0x25b: {  	[hbm4b:s22+s20] =	stream.strided.scatter [tilespmem:s7], [sflag:$0x5], $0x400, s25, s20, $0x38;
	[tilespmem:$0x18200] =	vst v63  }
0x25c: {  	s7 =	sadd.s32 $0x8A00, s0;
	s22 =	sadd.s32 $0x80, s21  }
0x25d: {  	[hbm4b:s22+s20] =	stream.strided.scatter [tilespmem:s7], [sflag:$0x5], $0x400, s25, s20, $0x38;
	[tilespmem:$0x18200] =	vst v63  }
0x25e: {  	s7 =	sadd.s32 $0x8E00, s0;
	s22 =	sadd.s32 $0xC0, s21  }
0x25f: {  	[hbm4b:s22+s20] =	stream.strided.scatter [tilespmem:s7], [sflag:$0x5], $0x400, s25, s20, $0x38;
	[tilespmem:$0x18200] =	vst v63  }
0x260: {  	s7 =	sadd.s32 $0x9200, s0;
	s22 =	sadd.s32 $0x100, s21  }
0x261: {  	[hbm4b:s22+s20] =	stream.strided.scatter [tilespmem:s7], [sflag:$0x5], $0x400, s25, s20, $0x38;
	[tilespmem:$0x18200] =	vst v63  }
0x262: {  	s7 =	sadd.s32 $0x9600, s0;
	s22 =	sadd.s32 $0x140, s21  }
0x263: {  	[hbm4b:s22+s20] =	stream.strided.scatter [tilespmem:s7], [sflag:$0x5], $0x400, s25, s20, $0x38;
	[tilespmem:$0x18200] =	vst v63  }
0x264: {  	s7 =	sadd.s32 $0x9A00, s0;
	s22 =	sadd.s32 $0x180, s21  }
0x265: {  	[hbm4b:s22+s20] =	stream.strided.scatter [tilespmem:s7], [sflag:$0x5], $0x400, s25, s20, $0x38;
	[tilespmem:$0x18200] =	vst v63  }
0x266: {  	s6 =	sadd.s32 $0x9E00, s0;
	s7 =	sadd.s32 $0x1C0, s21  }
0x267: {  	[hbm4b:s7+s20] =	stream.strided.scatter [tilespmem:s6], [sflag:$0x5], $0x400, s25, s20, $0x38;
	[tilespmem:$0x18200] =	vst v63  }
0x268: {  	_ =	swait.ge [sflag:s29], $0x8000  }
0x269: {  	[sflag:s29] =	ssyncset.done $0x0  }
0x26a: {  	[sflag:s29] =	ssyncadd.s32 $0xFFFF8000  }
0x26b: {  	v3 =	vld [tilespmem:$0x1A0];
	_ =	sdelay $0x4  }
0x26c: {  	v4 =	vshll.u32 v3, $0x3  }
0x26d: {  	v3 =	vand.u32 $0x7, v3;
	v4 =	vand.u32 $0xFFFFFFC0, v4  }
0x26e: {  	v3 =	vor.u32 v3, v4  }
0x26f: {  	v4 =	vperm.xlane v3, v0;
	_ =	sdelay $0x1  }
0x270: {  	v4 =	vadd.s32 v1, v4;
	_ =	sdelay $0x3  }
0x271: {  	s0 =	simm.s32 $0x0;
	s21 =	simm.s32 $0x8200  }
0x272: {  	[tilespmem:s21], [sflag:$0x2] =	stream.indirect_vreg.gather [hbm4b:s2+s0], $0x80, v4, vm0, $0xb8;
	[tilespmem:$0x18200] =	vst v63  }
0x273: {  	s22 =	simm.s32 $0x8A00;
	v3 =	vperm.xlane v3, v2  }
0x274: {  	[tilespmem:s22], [sflag:$0x2] =	stream.indirect_vreg.gather [hbm4b:s8+s0], $0x80, v4, vm0, $0xb8;
	[tilespmem:$0x18200] =	vst v63  }
0x275: {  	s6 =	simm.s32 $0x9200;
	v3 =	vadd.s32 v1, v3  }
0x276: {  	[tilespmem:s6], [sflag:$0x2] =	stream.indirect_vreg.gather [hbm4b:s9+s0], $0x80, v4, vm0, $0xb8;
	[tilespmem:$0x18200] =	vst v63  }
0x277: {  	s7 =	simm.s32 $0x9A00  }
0x278: {  	[tilespmem:s7], [sflag:$0x2] =	stream.indirect_vreg.gather [hbm4b:s11+s0], $0x80, v4, vm0, $0xb8;
	[tilespmem:$0x18200] =	vst v63  }
0x279: {  	s21 =	simm.s32 $0xA200  }
0x27a: {  	[tilespmem:s21], [sflag:$0x2] =	stream.indirect_vreg.gather [hbm4b:s2+s0], $0x80, v3, vm0, $0xb8;
	[tilespmem:$0x18200] =	vst v63  }
0x27b: {  	s22 =	simm.s32 $0xAA00  }
0x27c: {  	[tilespmem:s22], [sflag:$0x2] =	stream.indirect_vreg.gather [hbm4b:s8+s0], $0x80, v3, vm0, $0xb8;
	[tilespmem:$0x18200] =	vst v63  }
0x27d: {  	s6 =	simm.s32 $0xB200  }
0x27e: {  	[tilespmem:s6], [sflag:$0x2] =	stream.indirect_vreg.gather [hbm4b:s9+s0], $0x80, v3, vm0, $0xb8;
	[tilespmem:$0x18200] =	vst v63  }
0x27f: {  	s7 =	simm.s32 $0xBA00  }
0x280: {  	[tilespmem:s7], [sflag:$0x2] =	stream.indirect_vreg.gather [hbm4b:s11+s0], $0x80, v3, vm0, $0xb8;
	[tilespmem:$0x18200] =	vst v63  }
0x281: {  	v3 =	vld [tilespmem:$0x1B0];
	_ =	sdelay $0x4  }
0x282: {  	v63 =	vshll.u32 v3, $0x3  }
0x283: {  	v3 =	vand.u32 $0x7, v3;
	v4 =	vand.u32 $0xFFFFFFC0, v63  }
0x284: {  	v3 =	vor.u32 v3, v4  }
0x285: {  	v4 =	vperm.xlane v3, v0;
	_ =	sdelay $0x1  }
0x286: {  	v4 =	vadd.s32 v1, v4;
	_ =	sdelay $0x3  }
0x287: {  	s21 =	simm.s32 $0xC200  }
0x288: {  	[tilespmem:s21], [sflag:$0x2] =	stream.indirect_vreg.gather [hbm4b:s2+s0], $0x80, v4, vm0, $0xb8;
	[tilespmem:$0x18200] =	vst v63  }
0x289: {  	s22 =	simm.s32 $0xCA00;
	v3 =	vperm.xlane v3, v2  }
0x28a: {  	[tilespmem:s22], [sflag:$0x2] =	stream.indirect_vreg.gather [hbm4b:s8+s0], $0x80, v4, vm0, $0xb8;
	[tilespmem:$0x18200] =	vst v63  }
0x28b: {  	s6 =	simm.s32 $0xD200;
	v3 =	vadd.s32 v1, v3  }
0x28c: {  	[tilespmem:s6], [sflag:$0x2] =	stream.indirect_vreg.gather [hbm4b:s9+s0], $0x80, v4, vm0, $0xb8;
	[tilespmem:$0x18200] =	vst v63  }
0x28d: {  	s7 =	simm.s32 $0xDA00  }
0x28e: {  	[tilespmem:s7], [sflag:$0x2] =	stream.indirect_vreg.gather [hbm4b:s11+s0], $0x80, v4, vm0, $0xb8;
	[tilespmem:$0x18200] =	vst v63  }
0x28f: {  	s21 =	simm.s32 $0xE200  }
0x290: {  	[tilespmem:s21], [sflag:$0x2] =	stream.indirect_vreg.gather [hbm4b:s2+s0], $0x80, v3, vm0, $0xb8;
	[tilespmem:$0x18200] =	vst v63  }
0x291: {  	s22 =	simm.s32 $0xEA00  }
0x292: {  	[tilespmem:s22], [sflag:$0x2] =	stream.indirect_vreg.gather [hbm4b:s8+s0], $0x80, v3, vm0, $0xb8;
	[tilespmem:$0x18200] =	vst v63  }
0x293: {  	_ = 	snop  }
0x294: {  	[tilespmem:s19], [sflag:$0x2] =	stream.indirect_vreg.gather [hbm4b:s9+s0], $0x80, v3, vm0, $0xb8;
	[tilespmem:$0x18200] =	vst v63  }
0x295: {  	_ = 	snop  }
0x296: {  	[tilespmem:s4], [sflag:$0x2] =	stream.indirect_vreg.gather [hbm4b:s11+s0], $0x80, v3, vm0, $0xb8;
	[tilespmem:$0x18200] =	vst v63  }
0x297: {  	_ =	swait.ge [sflag:s30], $0x8000  }
0x298: {  	[sflag:s30] =	ssyncset.done $0x0  }
0x299: {  	s5 =	simm.s32 $0x10200;
	[sflag:s30] =	ssyncadd.s32 $0xFFFF8000  }
0x29a: {  	[hbm4b:s16+s20] =	stream.strided.scatter [tilespmem:s5], [sflag:$0x6], $0x400, s25, s20, $0x38;
	[tilespmem:$0x18200] =	vst v63  }
0x29b: {  	s6 =	simm.s32 $0x10600;
	s7 =	sadd.s32 $0x40, s16  }
0x29c: {  	[hbm4b:s7+s20] =	stream.strided.scatter [tilespmem:s6], [sflag:$0x6], $0x400, s25, s20, $0x38;
	[tilespmem:$0x18200] =	vst v63  }
0x29d: {  	s21 =	simm.s32 $0x10A00;
	s22 =	sadd.s32 $0x80, s16  }
0x29e: {  	[hbm4b:s22+s20] =	stream.strided.scatter [tilespmem:s21], [sflag:$0x6], $0x400, s25, s20, $0x38;
	[tilespmem:$0x18200] =	vst v63  }
0x29f: {  	s6 =	simm.s32 $0x10E00;
	s7 =	sadd.s32 $0xC0, s16  }
0x2a0: {  	[hbm4b:s7+s20] =	stream.strided.scatter [tilespmem:s6], [sflag:$0x6], $0x400, s25, s20, $0x38;
	[tilespmem:$0x18200] =	vst v63  }
0x2a1: {  	s21 =	simm.s32 $0x11200;
	s22 =	sadd.s32 $0x100, s16  }
0x2a2: {  	[hbm4b:s22+s20] =	stream.strided.scatter [tilespmem:s21], [sflag:$0x6], $0x400, s25, s20, $0x38;
	[tilespmem:$0x18200] =	vst v63  }
0x2a3: {  	s0 =	simm.s32 $0x2000;
	s6 =	simm.s32 $0x11600;
	s7 =	sadd.s32 $0x140, s16  }
0x2a4: {  	[hbm4b:s7+s20] =	stream.strided.scatter [tilespmem:s6], [sflag:$0x6], $0x400, s25, s20, $0x38;
	[tilespmem:$0x18200] =	vst v63  }
0x2a5: {  	s5 =	simm.s32 $0x11E00;
	s21 =	simm.s32 $0x11A00;
	s22 =	sadd.s32 $0x180, s16  }
0x2a6: {  	[hbm4b:s22+s20] =	stream.strided.scatter [tilespmem:s21], [sflag:$0x6], $0x400, s25, s20, $0x38;
	[tilespmem:$0x18200] =	vst v63  }
0x2a7: {  	s6 =	sadd.s32 $0x1C0, s16;
	s22 =	simm.s32 $0x10000;
	s21 =	sadd.s32 $0x1000, s16  }
.LBB2_12:
0x2a8: {  	[hbm4b:s6+s20] =	stream.strided.scatter [tilespmem:s5], [sflag:$0x6], $0x400, s25, s20, $0x38;
	[tilespmem:$0x18200] =	vst v63  }
0x2a9: {  	s5 =	smov.u32 s0;
	s0 =	smov.u32 s22  }
0x2aa: {  	s7 =	sadd.s32 $0x8000, s22;
	s0 =	sshra.s32 s0, $0x2;
	s6 =	sadd.s32 $0x10200, s5  }
0x2ab: {  	[hbm4b:s21+s20] =	stream.strided.scatter [tilespmem:s6], [sflag:$0x6], $0x400, s25, s20, $0x38;
	[tilespmem:$0x18200] =	vst v63  }
0x2ac: {  	p0 =	sne.s32 s22, $0x18000;
	s22 =	sadd.s32 $0x40, s21;
	s6 =	sadd.s32 $0x10600, s5  }
0x2ad: {  	[hbm4b:s22+s20] =	stream.strided.scatter [tilespmem:s6], [sflag:$0x6], $0x400, s25, s20, $0x38;
	[tilespmem:$0x18200] =	vst v63  }
0x2ae: {  	s6 =	sadd.s32 $0x10A00, s5;
	s22 =	sadd.s32 $0x80, s21  }
0x2af: {  	[hbm4b:s22+s20] =	stream.strided.scatter [tilespmem:s6], [sflag:$0x6], $0x400, s25, s20, $0x38;
	[tilespmem:$0x18200] =	vst v63  }
0x2b0: {  	s6 =	sadd.s32 $0x10E00, s5;
	s22 =	sadd.s32 $0xC0, s21  }
0x2b1: {  	[hbm4b:s22+s20] =	stream.strided.scatter [tilespmem:s6], [sflag:$0x6], $0x400, s25, s20, $0x38;
	[tilespmem:$0x18200] =	vst v63  }
0x2b2: {  	s6 =	sadd.s32 $0x11200, s5;
	s22 =	sadd.s32 $0x100, s21  }
0x2b3: {  	[hbm4b:s22+s20] =	stream.strided.scatter [tilespmem:s6], [sflag:$0x6], $0x400, s25, s20, $0x38;
	[tilespmem:$0x18200] =	vst v63  }
.Ltmp5:
0x2b4: {  	s6 =	sadd.s32 $0x11600, s5;
	s22 =	sadd.s32 $0x140, s21;
	(pc) =	sbr.rel @p0 .LBB2_12-.Ltmp5, $4  }
0x2b5: {  	[hbm4b:s22+s20] =	stream.strided.scatter [tilespmem:s6], [sflag:$0x6], $0x400, s25, s20, $0x38;
	[tilespmem:$0x18200] =	vst v63  }
0x2b6: {  	s6 =	sadd.s32 $0x11A00, s5;
	s22 =	sadd.s32 $0x180, s21;
	s5 =	sadd.s32 $0x11E00, s5  }
0x2b7: {  	[hbm4b:s22+s20] =	stream.strided.scatter [tilespmem:s6], [sflag:$0x6], $0x400, s25, s20, $0x38;
	[tilespmem:$0x18200] =	vst v63  }
0x2b8: {  	s6 =	sadd.s32 $0x1C0, s21;
	s21 =	sadd.s32 $0x1000, s21;
	s22 =	smov.u32 s7  }
0x2b9: {  	[hbm4b:s6+s20] =	stream.strided.scatter [tilespmem:s5], [sflag:$0x6], $0x400, s25, s20, $0x38;
	[tilespmem:$0x18200] =	vst v63  }
0x2ba: {  	s6 =	sadd.s32 $0x10200, s0  }
0x2bb: {  	[hbm4b:s21+s20] =	stream.strided.scatter [tilespmem:s6], [sflag:$0x6], $0x400, s25, s20, $0x38;
	[tilespmem:$0x18200] =	vst v63  }
0x2bc: {  	s7 =	sadd.s32 $0x10600, s0;
	s22 =	sadd.s32 $0x40, s21  }
0x2bd: {  	[hbm4b:s22+s20] =	stream.strided.scatter [tilespmem:s7], [sflag:$0x6], $0x400, s25, s20, $0x38;
	[tilespmem:$0x18200] =	vst v63  }
0x2be: {  	s7 =	sadd.s32 $0x10A00, s0;
	s22 =	sadd.s32 $0x80, s21  }
0x2bf: {  	[hbm4b:s22+s20] =	stream.strided.scatter [tilespmem:s7], [sflag:$0x6], $0x400, s25, s20, $0x38;
	[tilespmem:$0x18200] =	vst v63  }
0x2c0: {  	s7 =	sadd.s32 $0x10E00, s0;
	s22 =	sadd.s32 $0xC0, s21  }
0x2c1: {  	[hbm4b:s22+s20] =	stream.strided.scatter [tilespmem:s7], [sflag:$0x6], $0x400, s25, s20, $0x38;
	[tilespmem:$0x18200] =	vst v63  }
0x2c2: {  	s7 =	sadd.s32 $0x11200, s0;
	s22 =	sadd.s32 $0x100, s21  }
0x2c3: {  	[hbm4b:s22+s20] =	stream.strided.scatter [tilespmem:s7], [sflag:$0x6], $0x400, s25, s20, $0x38;
	[tilespmem:$0x18200] =	vst v63  }
0x2c4: {  	s7 =	sadd.s32 $0x11600, s0;
	s22 =	sadd.s32 $0x140, s21  }
0x2c5: {  	[hbm4b:s22+s20] =	stream.strided.scatter [tilespmem:s7], [sflag:$0x6], $0x400, s25, s20, $0x38;
	[tilespmem:$0x18200] =	vst v63  }
0x2c6: {  	s7 =	sadd.s32 $0x11A00, s0;
	s22 =	sadd.s32 $0x180, s21  }
0x2c7: {  	[hbm4b:s22+s20] =	stream.strided.scatter [tilespmem:s7], [sflag:$0x6], $0x400, s25, s20, $0x38;
	[tilespmem:$0x18200] =	vst v63  }
0x2c8: {  	s7 =	sadd.s32 $0x11E00, s0;
	s22 =	sadd.s32 $0x1C0, s21  }
0x2c9: {  	[hbm4b:s22+s20] =	stream.strided.scatter [tilespmem:s7], [sflag:$0x6], $0x400, s25, s20, $0x38;
	[tilespmem:$0x18200] =	vst v63  }
0x2ca: {  	_ =	swait.ge [sflag:s24], $0x8000  }
0x2cb: {  	[sflag:s24] =	ssyncset.done $0x0  }
0x2cc: {  	s5 =	simm.s32 $0x200;
	[sflag:s24] =	ssyncadd.s32 $0xFFFF8000  }
0x2cd: {  	[hbm4b:s17+s20] =	stream.strided.scatter [tilespmem:s5], [sflag:$0x4], $0x400, s25, s20, $0x38;
	[tilespmem:$0x18200] =	vst v63  }
0x2ce: {  	s6 =	simm.s32 $0x600;
	s7 =	sadd.s32 $0x40, s17  }
0x2cf: {  	[hbm4b:s7+s20] =	stream.strided.scatter [tilespmem:s6], [sflag:$0x4], $0x400, s25, s20, $0x38;
	[tilespmem:$0x18200] =	vst v63  }
0x2d0: {  	s21 =	simm.s32 $0xA00;
	s22 =	sadd.s32 $0x80, s17  }
0x2d1: {  	[hbm4b:s22+s20] =	stream.strided.scatter [tilespmem:s21], [sflag:$0x4], $0x400, s25, s20, $0x38;
	[tilespmem:$0x18200] =	vst v63  }
0x2d2: {  	s6 =	simm.s32 $0xE00;
	s7 =	sadd.s32 $0xC0, s17  }
0x2d3: {  	[hbm4b:s7+s20] =	stream.strided.scatter [tilespmem:s6], [sflag:$0x4], $0x400, s25, s20, $0x38;
	[tilespmem:$0x18200] =	vst v63  }
0x2d4: {  	s21 =	simm.s32 $0x1200;
	s22 =	sadd.s32 $0x100, s17  }
0x2d5: {  	[hbm4b:s22+s20] =	stream.strided.scatter [tilespmem:s21], [sflag:$0x4], $0x400, s25, s20, $0x38;
	[tilespmem:$0x18200] =	vst v63  }
0x2d6: {  	s0 =	simm.s32 $0x2000;
	s6 =	simm.s32 $0x1600;
	s7 =	sadd.s32 $0x140, s17  }
0x2d7: {  	[hbm4b:s7+s20] =	stream.strided.scatter [tilespmem:s6], [sflag:$0x4], $0x400, s25, s20, $0x38;
	[tilespmem:$0x18200] =	vst v63  }
0x2d8: {  	s5 =	simm.s32 $0x1E00;
	s21 =	simm.s32 $0x1A00;
	s22 =	sadd.s32 $0x180, s17  }
0x2d9: {  	[hbm4b:s22+s20] =	stream.strided.scatter [tilespmem:s21], [sflag:$0x4], $0x400, s25, s20, $0x38;
	[tilespmem:$0x18200] =	vst v63  }
0x2da: {  	s6 =	sadd.s32 $0x1C0, s17;
	s22 =	simm.s32 $0x10000;
	s21 =	sadd.s32 $0x1000, s17  }
.LBB2_14:
0x2db: {  	[hbm4b:s6+s20] =	stream.strided.scatter [tilespmem:s5], [sflag:$0x4], $0x400, s25, s20, $0x38;
	[tilespmem:$0x18200] =	vst v63  }
0x2dc: {  	s5 =	smov.u32 s0;
	s0 =	smov.u32 s22  }
0x2dd: {  	s7 =	sadd.s32 $0x8000, s22;
	s0 =	sshra.s32 s0, $0x2;
	s6 =	sadd.s32 $0x200, s5  }
0x2de: {  	[hbm4b:s21+s20] =	stream.strided.scatter [tilespmem:s6], [sflag:$0x4], $0x400, s25, s20, $0x38;
	[tilespmem:$0x18200] =	vst v63  }
0x2df: {  	p0 =	sne.s32 s22, $0x18000;
	s22 =	sadd.s32 $0x40, s21;
	s6 =	sadd.s32 $0x600, s5  }
0x2e0: {  	[hbm4b:s22+s20] =	stream.strided.scatter [tilespmem:s6], [sflag:$0x4], $0x400, s25, s20, $0x38;
	[tilespmem:$0x18200] =	vst v63  }
0x2e1: {  	s6 =	sadd.s32 $0xA00, s5;
	s22 =	sadd.s32 $0x80, s21  }
0x2e2: {  	[hbm4b:s22+s20] =	stream.strided.scatter [tilespmem:s6], [sflag:$0x4], $0x400, s25, s20, $0x38;
	[tilespmem:$0x18200] =	vst v63  }
0x2e3: {  	s6 =	sadd.s32 $0xE00, s5;
	s22 =	sadd.s32 $0xC0, s21  }
0x2e4: {  	[hbm4b:s22+s20] =	stream.strided.scatter [tilespmem:s6], [sflag:$0x4], $0x400, s25, s20, $0x38;
	[tilespmem:$0x18200] =	vst v63  }
0x2e5: {  	s6 =	sadd.s32 $0x1200, s5;
	s22 =	sadd.s32 $0x100, s21  }
0x2e6: {  	[hbm4b:s22+s20] =	stream.strided.scatter [tilespmem:s6], [sflag:$0x4], $0x400, s25, s20, $0x38;
	[tilespmem:$0x18200] =	vst v63  }
.Ltmp6:
0x2e7: {  	s6 =	sadd.s32 $0x1600, s5;
	s22 =	sadd.s32 $0x140, s21;
	(pc) =	sbr.rel @p0 .LBB2_14-.Ltmp6, $4  }
0x2e8: {  	[hbm4b:s22+s20] =	stream.strided.scatter [tilespmem:s6], [sflag:$0x4], $0x400, s25, s20, $0x38;
	[tilespmem:$0x18200] =	vst v63  }
0x2e9: {  	s6 =	sadd.s32 $0x1A00, s5;
	s22 =	sadd.s32 $0x180, s21;
	s5 =	sadd.s32 $0x1E00, s5  }
0x2ea: {  	[hbm4b:s22+s20] =	stream.strided.scatter [tilespmem:s6], [sflag:$0x4], $0x400, s25, s20, $0x38;
	[tilespmem:$0x18200] =	vst v63  }
0x2eb: {  	s6 =	sadd.s32 $0x1C0, s21;
	s21 =	sadd.s32 $0x1000, s21;
	s22 =	smov.u32 s7  }
0x2ec: {  	[hbm4b:s6+s20] =	stream.strided.scatter [tilespmem:s5], [sflag:$0x4], $0x400, s25, s20, $0x38;
	[tilespmem:$0x18200] =	vst v63  }
0x2ed: {  	s6 =	sadd.s32 $0x200, s0  }
0x2ee: {  	[hbm4b:s21+s20] =	stream.strided.scatter [tilespmem:s6], [sflag:$0x4], $0x400, s25, s20, $0x38;
	[tilespmem:$0x18200] =	vst v63  }
0x2ef: {  	s7 =	sadd.s32 $0x600, s0;
	s22 =	sadd.s32 $0x40, s21  }
0x2f0: {  	[hbm4b:s22+s20] =	stream.strided.scatter [tilespmem:s7], [sflag:$0x4], $0x400, s25, s20, $0x38;
	[tilespmem:$0x18200] =	vst v63  }
0x2f1: {  	s7 =	sadd.s32 $0xA00, s0;
	s22 =	sadd.s32 $0x80, s21  }
0x2f2: {  	[hbm4b:s22+s20] =	stream.strided.scatter [tilespmem:s7], [sflag:$0x4], $0x400, s25, s20, $0x38;
	[tilespmem:$0x18200] =	vst v63  }
0x2f3: {  	s7 =	sadd.s32 $0xE00, s0;
	s22 =	sadd.s32 $0xC0, s21  }
0x2f4: {  	[hbm4b:s22+s20] =	stream.strided.scatter [tilespmem:s7], [sflag:$0x4], $0x400, s25, s20, $0x38;
	[tilespmem:$0x18200] =	vst v63  }
0x2f5: {  	s7 =	sadd.s32 $0x1200, s0;
	s22 =	sadd.s32 $0x100, s21  }
0x2f6: {  	[hbm4b:s22+s20] =	stream.strided.scatter [tilespmem:s7], [sflag:$0x4], $0x400, s25, s20, $0x38;
	[tilespmem:$0x18200] =	vst v63  }
0x2f7: {  	s7 =	sadd.s32 $0x1600, s0;
	s22 =	sadd.s32 $0x140, s21  }
0x2f8: {  	[hbm4b:s22+s20] =	stream.strided.scatter [tilespmem:s7], [sflag:$0x4], $0x400, s25, s20, $0x38;
	[tilespmem:$0x18200] =	vst v63  }
0x2f9: {  	s7 =	sadd.s32 $0x1A00, s0;
	s22 =	sadd.s32 $0x180, s21  }
0x2fa: {  	[hbm4b:s22+s20] =	stream.strided.scatter [tilespmem:s7], [sflag:$0x4], $0x400, s25, s20, $0x38;
	[tilespmem:$0x18200] =	vst v63  }
0x2fb: {  	s7 =	sadd.s32 $0x1E00, s0;
	s22 =	sadd.s32 $0x1C0, s21  }
0x2fc: {  	[hbm4b:s22+s20] =	stream.strided.scatter [tilespmem:s7], [sflag:$0x4], $0x400, s25, s20, $0x38;
	[tilespmem:$0x18200] =	vst v63  }
0x2fd: {  	_ =	swait.ge [sflag:s28], $0x8000  }
0x2fe: {  	[sflag:s28] =	ssyncset.done $0x0  }
0x2ff: {  	s5 =	simm.s32 $0x8200;
	[sflag:s28] =	ssyncadd.s32 $0xFFFF8000  }
0x300: {  	[hbm4b:s18+s20] =	stream.strided.scatter [tilespmem:s5], [sflag:$0x5], $0x400, s25, s20, $0x38;
	[tilespmem:$0x18200] =	vst v63  }
0x301: {  	s6 =	simm.s32 $0x8600;
	s7 =	sadd.s32 $0x40, s18  }
0x302: {  	[hbm4b:s7+s20] =	stream.strided.scatter [tilespmem:s6], [sflag:$0x5], $0x400, s25, s20, $0x38;
	[tilespmem:$0x18200] =	vst v63  }
0x303: {  	s21 =	simm.s32 $0x8A00;
	s22 =	sadd.s32 $0x80, s18  }
0x304: {  	[hbm4b:s22+s20] =	stream.strided.scatter [tilespmem:s21], [sflag:$0x5], $0x400, s25, s20, $0x38;
	[tilespmem:$0x18200] =	vst v63  }
0x305: {  	s6 =	simm.s32 $0x8E00;
	s7 =	sadd.s32 $0xC0, s18  }
0x306: {  	[hbm4b:s7+s20] =	stream.strided.scatter [tilespmem:s6], [sflag:$0x5], $0x400, s25, s20, $0x38;
	[tilespmem:$0x18200] =	vst v63  }
0x307: {  	s21 =	simm.s32 $0x9200;
	s22 =	sadd.s32 $0x100, s18  }
0x308: {  	[hbm4b:s22+s20] =	stream.strided.scatter [tilespmem:s21], [sflag:$0x5], $0x400, s25, s20, $0x38;
	[tilespmem:$0x18200] =	vst v63  }
0x309: {  	s0 =	simm.s32 $0x2000;
	s6 =	simm.s32 $0x9600;
	s7 =	sadd.s32 $0x140, s18  }
0x30a: {  	[hbm4b:s7+s20] =	stream.strided.scatter [tilespmem:s6], [sflag:$0x5], $0x400, s25, s20, $0x38;
	[tilespmem:$0x18200] =	vst v63  }
0x30b: {  	s5 =	simm.s32 $0x9E00;
	s21 =	simm.s32 $0x9A00;
	s22 =	sadd.s32 $0x180, s18  }
0x30c: {  	[hbm4b:s22+s20] =	stream.strided.scatter [tilespmem:s21], [sflag:$0x5], $0x400, s25, s20, $0x38;
	[tilespmem:$0x18200] =	vst v63  }
0x30d: {  	s6 =	sadd.s32 $0x1C0, s18;
	s22 =	simm.s32 $0x10000;
	s21 =	sadd.s32 $0x1000, s18  }
.LBB2_16:
0x30e: {  	[hbm4b:s6+s20] =	stream.strided.scatter [tilespmem:s5], [sflag:$0x5], $0x400, s25, s20, $0x38;
	[tilespmem:$0x18200] =	vst v63  }
0x30f: {  	s5 =	smov.u32 s0;
	s0 =	smov.u32 s22  }
0x310: {  	s7 =	sadd.s32 $0x8000, s22;
	s0 =	sshra.s32 s0, $0x2;
	s6 =	sadd.s32 $0x8200, s5  }
0x311: {  	[hbm4b:s21+s20] =	stream.strided.scatter [tilespmem:s6], [sflag:$0x5], $0x400, s25, s20, $0x38;
	[tilespmem:$0x18200] =	vst v63  }
0x312: {  	p0 =	sne.s32 s22, $0x18000;
	s22 =	sadd.s32 $0x40, s21;
	s6 =	sadd.s32 $0x8600, s5  }
0x313: {  	[hbm4b:s22+s20] =	stream.strided.scatter [tilespmem:s6], [sflag:$0x5], $0x400, s25, s20, $0x38;
	[tilespmem:$0x18200] =	vst v63  }
0x314: {  	s6 =	sadd.s32 $0x8A00, s5;
	s22 =	sadd.s32 $0x80, s21  }
0x315: {  	[hbm4b:s22+s20] =	stream.strided.scatter [tilespmem:s6], [sflag:$0x5], $0x400, s25, s20, $0x38;
	[tilespmem:$0x18200] =	vst v63  }
0x316: {  	s6 =	sadd.s32 $0x8E00, s5;
	s22 =	sadd.s32 $0xC0, s21  }
0x317: {  	[hbm4b:s22+s20] =	stream.strided.scatter [tilespmem:s6], [sflag:$0x5], $0x400, s25, s20, $0x38;
	[tilespmem:$0x18200] =	vst v63  }
0x318: {  	s6 =	sadd.s32 $0x9200, s5;
	s22 =	sadd.s32 $0x100, s21  }
0x319: {  	[hbm4b:s22+s20] =	stream.strided.scatter [tilespmem:s6], [sflag:$0x5], $0x400, s25, s20, $0x38;
	[tilespmem:$0x18200] =	vst v63  }
.Ltmp7:
0x31a: {  	s6 =	sadd.s32 $0x9600, s5;
	s22 =	sadd.s32 $0x140, s21;
	(pc) =	sbr.rel @p0 .LBB2_16-.Ltmp7, $4  }
0x31b: {  	[hbm4b:s22+s20] =	stream.strided.scatter [tilespmem:s6], [sflag:$0x5], $0x400, s25, s20, $0x38;
	[tilespmem:$0x18200] =	vst v63  }
0x31c: {  	s6 =	sadd.s32 $0x9A00, s5;
	s22 =	sadd.s32 $0x180, s21;
	s5 =	sadd.s32 $0x9E00, s5  }
0x31d: {  	[hbm4b:s22+s20] =	stream.strided.scatter [tilespmem:s6], [sflag:$0x5], $0x400, s25, s20, $0x38;
	[tilespmem:$0x18200] =	vst v63  }
0x31e: {  	s6 =	sadd.s32 $0x1C0, s21;
	s21 =	sadd.s32 $0x1000, s21;
	s22 =	smov.u32 s7  }
0x31f: {  	[hbm4b:s6+s20] =	stream.strided.scatter [tilespmem:s5], [sflag:$0x5], $0x400, s25, s20, $0x38;
	[tilespmem:$0x18200] =	vst v63  }
0x320: {  	s6 =	sadd.s32 $0x8200, s0  }
0x321: {  	[hbm4b:s21+s20] =	stream.strided.scatter [tilespmem:s6], [sflag:$0x5], $0x400, s25, s20, $0x38;
	[tilespmem:$0x18200] =	vst v63  }
0x322: {  	s7 =	sadd.s32 $0x8600, s0;
	s22 =	sadd.s32 $0x40, s21  }
0x323: {  	[hbm4b:s22+s20] =	stream.strided.scatter [tilespmem:s7], [sflag:$0x5], $0x400, s25, s20, $0x38;
	[tilespmem:$0x18200] =	vst v63  }
0x324: {  	s7 =	sadd.s32 $0x8A00, s0;
	s22 =	sadd.s32 $0x80, s21  }
0x325: {  	[hbm4b:s22+s20] =	stream.strided.scatter [tilespmem:s7], [sflag:$0x5], $0x400, s25, s20, $0x38;
	[tilespmem:$0x18200] =	vst v63  }
0x326: {  	s7 =	sadd.s32 $0x8E00, s0;
	s22 =	sadd.s32 $0xC0, s21  }
0x327: {  	[hbm4b:s22+s20] =	stream.strided.scatter [tilespmem:s7], [sflag:$0x5], $0x400, s25, s20, $0x38;
	[tilespmem:$0x18200] =	vst v63  }
0x328: {  	s7 =	sadd.s32 $0x9200, s0;
	s22 =	sadd.s32 $0x100, s21  }
0x329: {  	[hbm4b:s22+s20] =	stream.strided.scatter [tilespmem:s7], [sflag:$0x5], $0x400, s25, s20, $0x38;
	[tilespmem:$0x18200] =	vst v63  }
0x32a: {  	s7 =	sadd.s32 $0x9600, s0;
	s22 =	sadd.s32 $0x140, s21  }
0x32b: {  	[hbm4b:s22+s20] =	stream.strided.scatter [tilespmem:s7], [sflag:$0x5], $0x400, s25, s20, $0x38;
	[tilespmem:$0x18200] =	vst v63  }
0x32c: {  	s7 =	sadd.s32 $0x9A00, s0;
	s22 =	sadd.s32 $0x180, s21  }
0x32d: {  	[hbm4b:s22+s20] =	stream.strided.scatter [tilespmem:s7], [sflag:$0x5], $0x400, s25, s20, $0x38;
	[tilespmem:$0x18200] =	vst v63  }
0x32e: {  	s21 =	sadd.s32 $0x1C0, s21;
	s7 =	sadd.s32 $0x9E00, s0  }
0x32f: {  	[hbm4b:s21+s20] =	stream.strided.scatter [tilespmem:s7], [sflag:$0x5], $0x400, s25, s20, $0x38;
	[tilespmem:$0x18200] =	vst v63  }
0x330: {  	_ =	swait.ge [sflag:s26], $0x8000  }
0x331: {  	[sflag:s26] =	ssyncset.done $0x0  }
0x332: {  	[sflag:s26] =	ssyncadd.s32 $0xFFFF8000  }
0x333: {  	_ =	swait.ge [sflag:s29], $0x8000  }
0x334: {  	[sflag:s29] =	ssyncset.done $0x0  }
0x335: {  	[sflag:s29] =	ssyncadd.s32 $0xFFFF8000  }
0x336: {  	_ =	swait.ge [sflag:s31], $0x8000  }
0x337: {  	s1 =	sadd.s32 $0x1, s1;
	s22 =	rddreg [dreg:$0x8]  }
0x338: {  	p0 =	sne.s32 s1, s22  }
.Ltmp8:
0x339: {  	_ = 	snop;
	(pc) =	sbr.rel @p0 .LBB2_1-.Ltmp8, $3  }
0x33a: {  	_ =	sdelay $0x1  }
0x33b: {  	[sflag:s31] =	ssyncset.done $0x0  }
0x33c: {  	[sflag:s31] =	ssyncadd.s32 $0xFFFF8000  }
0x33d: {  	_ =	sfence.sel $0x180000  }
0x33e: {  	[bflag:$0x0] =	sbarrier.arrive $0xFFFF  }
0x33f: {  	_ =	strace $0x90000047  }
0x340: {  	s0 =	stileid.u32;
	[bflag:$0x2] =	sbarrier.arrive $0xFFFF  }
0x341: {  	p0 =	sne.s32 s0, $0x0;
	s0 =	rddreg [dreg:$0x3]  }
0x342: {  	s0 =	sadd.s32 @!p0 $0x100000, s0  }
0x343: {  	[sflag:s0] =	ssyncadd.tile.s32 @!p0 $0x1;
	_ =	shalt  }
.Lfunc_end2:
_tile_overlayer_lowered:
.L_overlay_start_2:
0x344: {  	(tag) =	ssettag $0x2  }
0x345: {  	s0 =	rddreg [dreg:$0x0];
	s2 =	stileid.u32  }
0x346: {  	s1 =	rddreg [dreg:$0x1];
	p0 =	sne.s32 s2, $0x0  }
0x347: {  	s3 =	rddreg [dreg:$0x2];
	[bflag:$0x3] =	sbarrier.arrive $0xFFFF;
	s2 =	simm.s32 @!p0 $0x1C08  }
0x348: {  	[timem:s3], [sflag:s2] =	dma.local @!p0 [hbm:s0], s1  }
0x349: {  	s0 =	simm.s32 @!p0 $0x8  }
0x34a: {  	_ =	swait.ge @!p0 [sflag:s0], s1  }
0x34b: {  	s1 =	ssub.s32 @!p0 $0x0, s1;
	[sflag:s0] =	ssyncset.done @!p0 $0x0  }
0x34c: {  	[sflag:s0] =	ssyncadd.s32 @!p0 s1  }
0x34d: {  	[bflag:$0x3] =	sbarrier.arrive $0xFFFF  }
0x34e: {  	_ =	shalt  }

</sc_bundles>
